<compile_context>
chip_gen: v7x
topology: tpu7x:2x2x1
jax: 0.10.2.dev20260603
libtpu: 0.0.44.dev20260713+nightly
codegen_flags: <defaults>
</compile_context>

<pallas_src>
import functools

import jax
import jax.numpy as jnp
from jax import lax
from jax.experimental import pallas as pl
from jax.experimental.pallas import tpu as pltpu
from jax.experimental.pallas import tpu_sc as plsc

_N = 10000
_E = 320000
_NP = 10240
_CSZ = 128
_NCH = 80
_SHIFT = 14
_NC = 2
_NS = 16
_NW = _NC * _NS
_RPT = _NP // _NS

_mesh = plsc.VectorSubcoreMesh(core_axis_name="c", subcore_axis_name="s")


def _zero_fill(buf, nrow, ncol):
    def row(r, _):
        for j in range(ncol // 16):
            buf[r, pl.ds(j * 16, 16)] = jnp.zeros((16,), jnp.float32)
        return 0
    lax.fori_loop(0, nrow, row, 0)


def _zero_acc_slice(buf, acc, base):
    nfull = _RPT // _CSZ
    rem = _RPT - nfull * _CSZ
    for k in range(nfull):
        pltpu.sync_copy(buf, acc.at[pl.ds(base + k * _CSZ, _CSZ)])
    if rem:
        pltpu.sync_copy(buf.at[pl.ds(0, rem)],
                        acc.at[pl.ds(base + nfull * _CSZ, rem)])



@functools.partial(
    pl.kernel,
    out_type=jax.ShapeDtypeStruct((_NC, _NP, 16), jnp.float32),
    mesh=_mesh,
    scratch_types=[
        pltpu.VMEM((_NCH, _CSZ), jnp.int32),
        pltpu.VMEM((_CSZ, 16), jnp.float32),
        pltpu.VMEM_SHARED((_NP, 16), jnp.float32),
    ],
)
def _sc_deg(dst3, degp, idx_all, buf, acc):
    c = lax.axis_index("c")
    s = lax.axis_index("s")
    wid = s * _NC + c
    _zero_fill(buf, _CSZ, 16)
    _zero_acc_slice(buf, acc, s * _RPT)
    def row(r, _):
        buf[r, :] = jnp.ones((16,), jnp.float32)
        return 0
    lax.fori_loop(0, _CSZ, row, 0)
    pltpu.sync_copy(dst3.at[wid], idx_all)
    plsc.subcore_barrier()
    def chunk(ch, _):
        pltpu.sync_copy(buf, acc.at[idx_all.at[ch]], add=True)
        return 0
    lax.fori_loop(0, _NCH, chunk, 0)
    plsc.subcore_barrier()
    pltpu.sync_copy(acc.at[pl.ds(s * _RPT, _RPT)],
                    degp.at[c, pl.ds(s * _RPT, _RPT)])



def _make_spmm(d):
    @functools.partial(
        pl.kernel,
        out_type=jax.ShapeDtypeStruct((_NC, _NP, d), jnp.float32),
        mesh=_mesh,
        scratch_types=[
            pltpu.VMEM((_NCH, _CSZ), jnp.int32),
            pltpu.VMEM((_CSZ,), jnp.int32),
            pltpu.VMEM((_CSZ,), jnp.int32),
            pltpu.VMEM((_CSZ,), jnp.int32),
            pltpu.VMEM((_CSZ,), jnp.int32),
            pltpu.VMEM((_CSZ, d), jnp.float32),
            pltpu.VMEM((_CSZ, d), jnp.float32),
            pltpu.VMEM_SHARED((_NP, d), jnp.float32),
            pltpu.SemaphoreType.DMA,
            pltpu.SemaphoreType.DMA,
        ],
        compiler_params=pltpu.CompilerParams(use_tc_tiling_on_sc=False),
    )
    def _sc_spmm(hp, pk3, outp, pk_all, sb0, sb1, db0, db1, rows0, rows1,
                 acc, sem0, sem1):
        c = lax.axis_index("c")
        s = lax.axis_index("s")
        wid = s * _NC + c
        _zero_fill(rows0, _CSZ, d)
        _zero_acc_slice(rows0, acc, s * _RPT)
        pltpu.sync_copy(pk3.at[wid], pk_all)
        plsc.subcore_barrier()

        mask = jnp.int32((1 << _SHIFT) - 1)

        def unpack(ch, sb, db):
            def blk(k, _):
                v = pk_all[ch, pl.ds(k * 16, 16)]
                sb[pl.ds(k * 16, 16)] = v & mask
                db[pl.ds(k * 16, 16)] = lax.shift_right_logical(v, _SHIFT)
                return 0
            lax.fori_loop(0, _CSZ // 16, blk, 0)

        unpack(0, sb0, db0)
        pltpu.async_copy(hp.at[sb0], rows0, sem0)
        def pair(p, _):
            g = 2 * p
            unpack(g + 1, sb1, db1)
            pltpu.async_copy(hp.at[sb1], rows1, sem1)
            pltpu.make_async_copy(hp.at[sb0], rows0, sem0).wait()
            pltpu.sync_copy(rows0, acc.at[db0], add=True)
            @pl.when(p < _NCH // 2 - 1)
            def _():
                unpack(g + 2, sb0, db0)
                pltpu.async_copy(hp.at[sb0], rows0, sem0)
            pltpu.make_async_copy(hp.at[sb1], rows1, sem1).wait()
            pltpu.sync_copy(rows1, acc.at[db1], add=True)
            return 0
        lax.fori_loop(0, _NCH // 2, pair, 0)
        plsc.subcore_barrier()
        pltpu.sync_copy(acc.at[pl.ds(s * _RPT, _RPT)],
                        outp.at[c, pl.ds(s * _RPT, _RPT)])
    return _sc_spmm


_sc_spmm_128 = _make_spmm(128)
_sc_spmm_64 = _make_spmm(64)



_R = 1000


def _tc1_body(x_ref, w_ref, d0_ref, d1_ref, hp_ref):
    deg = d0_ref[0, :, 0:1] + d1_ref[0, :, 0:1] + 1.0
    dis = lax.rsqrt(deg)
    h = jnp.dot(x_ref[...], w_ref[...], preferred_element_type=jnp.float32)
    hp_ref[...] = h * dis


def _tc_mid_body(s0_ref, s1_ref, hp_ref, d0_ref, d1_ref, b_ref, w_ref, out_ref):
    deg = d0_ref[0, :, 0:1] + d1_ref[0, :, 0:1] + 1.0
    dis = lax.rsqrt(deg)
    tot = s0_ref[0] + s1_ref[0] + hp_ref[...]
    h = jnp.maximum(tot * dis + b_ref[...], 0.0)
    out_ref[...] = jnp.dot(h, w_ref[...], preferred_element_type=jnp.float32) * dis


def _tc_out_body(s0_ref, s1_ref, hp_ref, d0_ref, d1_ref, b_ref, out_ref):
    deg = d0_ref[0, :, 0:1] + d1_ref[0, :, 0:1] + 1.0
    dis = lax.rsqrt(deg)
    out_ref[...] = (s0_ref[0] + s1_ref[0] + hp_ref[...]) * dis + b_ref[...]


def _row_spec(d):
    return pl.BlockSpec((_R, d), lambda i: (i, 0))


def _full_spec(shape):
    return pl.BlockSpec(shape, lambda i: tuple(0 for _ in shape))


def kernel(x, edge_index, W1, b1, W2, b2):
    src = edge_index[0].astype(jnp.int32)
    dst = edge_index[1].astype(jnp.int32)
    pad = _NW * _NCH * _CSZ - _E
    src_p = jnp.concatenate([src, jnp.zeros((pad,), jnp.int32)])
    dst_p = jnp.concatenate([dst, jnp.full((pad,), _N, jnp.int32)])
    dst3 = dst_p.reshape(_NW, _NCH, _CSZ)
    pk3 = (src_p | (dst_p << _SHIFT)).reshape(_NW, _NCH, _CSZ)

    degp = _sc_deg(dst3)

    def _part_spec(d, j):
        return pl.BlockSpec((1, _R, d), lambda i, j=j: (j, i, 0))

    hp1 = pl.pallas_call(
        _tc1_body,
        grid=(_N // _R,),
        in_specs=[_row_spec(128), _full_spec((128, 128)),
                  _part_spec(16, 0), _part_spec(16, 1)],
        out_specs=_row_spec(128),
        out_shape=jax.ShapeDtypeStruct((_N, 128), jnp.float32),
    )(x, W1, degp, degp)

    s1 = _sc_spmm_128(hp1, pk3)

    hp2 = pl.pallas_call(
        _tc_mid_body,
        grid=(_N // _R,),
        in_specs=[
            _part_spec(128, 0),
            _part_spec(128, 1),
            _row_spec(128),
            _part_spec(16, 0),
            _part_spec(16, 1),
            _full_spec((1, 128)),
            _full_spec((128, 64)),
        ],
        out_specs=_row_spec(64),
        out_shape=jax.ShapeDtypeStruct((_N, 64), jnp.float32),
    )(s1, s1, hp1, degp, degp, b1.reshape(1, 128), W2)

    s2 = _sc_spmm_64(hp2, pk3)

    out = pl.pallas_call(
        _tc_out_body,
        grid=(_N // _R,),
        in_specs=[
            _part_spec(64, 0),
            _part_spec(64, 1),
            _row_spec(64),
            _part_spec(16, 0),
            _part_spec(16, 1),
            _full_spec((1, 64)),
        ],
        out_specs=_row_spec(64),
        out_shape=jax.ShapeDtypeStruct((_N, 64), jnp.float32),
    )(s2, s2, hp2, degp, degp, b2.reshape(1, 64))
    return out

# --- scband reference (transcript-rebuilt; emitter-appended) ---
"""Pipeline reference for scband-dgiencoder-35682588295724 (READ-ONLY COPY).

The authoritative reference and input builder live on the scoring server;
editing this copy changes nothing except your own understanding.
"""

import jax, jax.numpy as jnp
import numpy as np

N = 10000
E = 320000
D_IN = 128
D_HID = 128
D_OUT = 64


def setup_inputs(seed: int = 0) -> dict:
    key = jax.random.key(seed)
    k1, k2, k3, k4, k5, k6 = jax.random.split(key, 6)
    x = jax.random.normal(k1, (N, D_IN), dtype=jnp.float32)
    edge_index = jax.random.randint(k2, (2, E), 0, N)
    W1 = jax.random.normal(k3, (D_IN, D_HID), dtype=jnp.float32) * 0.05
    b1 = jnp.zeros((D_HID,), dtype=jnp.float32)
    W2 = jax.random.normal(k4, (D_HID, D_OUT), dtype=jnp.float32) * 0.05
    b2 = jnp.zeros((D_OUT,), dtype=jnp.float32)
    return {"x": x, "edge_index": edge_index, "W1": W1, "b1": b1, "W2": W2, "b2": b2}


def gcn_conv(x, edge_index, W, b):
    # PyG GCNConv: add self-loops, symmetric normalization D^-1/2 (A+I) D^-1/2 X W + b
    n = x.shape[0]
    loop = jnp.arange(n, dtype=edge_index.dtype)
    src = jnp.concatenate([edge_index[0], loop])
    dst = jnp.concatenate([edge_index[1], loop])
    deg = jnp.zeros((n,), dtype=x.dtype).at[dst].add(1.0)
    deg_inv_sqrt = jnp.where(deg > 0, 1.0 / jnp.sqrt(deg), 0.0)
    norm = deg_inv_sqrt[src] * deg_inv_sqrt[dst]
    h = x @ W
    msg = h[src] * norm[:, None]
    out = jnp.zeros((n, W.shape[1]), dtype=x.dtype).at[dst].add(msg)
    return out + b


def reference(x, edge_index, W1, b1, W2, b2):
    # Layer 1: conv -> dropout(eval mode = identity) -> relu
    h = jax.nn.relu(gcn_conv(x, edge_index, W1, b1))
    # Final layer (no activation); batch=None so no global pooling
    out = gcn_conv(h, edge_index, W2, b2)
    return out

if __name__ == "__main__":
    import jax
    _d = setup_inputs()
    print(jax.jit(kernel)(*tuple(_d.values())))

</pallas_src>

<mosaic_0001>
#map = affine_map<(d0, d1) -> (0, 0)>
#map1 = affine_map<(d0, d1) -> (0, 0, 0)>
module attributes {stable_mosaic.version = 14 : i64} {
  func.func @_sc_spmm(%arg0: i32, %arg1: i32, %arg2: memref<10000x128xf32, #tpu.memory_space<hbm>>, %arg3: memref<32x80x128xi32, #tpu.memory_space<hbm>>, %arg4: memref<2x10240x128xf32, #tpu.memory_space<hbm>>, %arg5: memref<80x128xi32, #tpu.memory_space<vmem>>, %arg6: memref<128xi32, #tpu.memory_space<vmem>>, %arg7: memref<128xi32, #tpu.memory_space<vmem>>, %arg8: memref<128xi32, #tpu.memory_space<vmem>>, %arg9: memref<128xi32, #tpu.memory_space<vmem>>, %arg10: memref<128x128xf32, #tpu.memory_space<vmem>>, %arg11: memref<128x128xf32, #tpu.memory_space<vmem>>, %arg12: memref<10240x128xf32, #tpu.memory_space<vmem_shared>>, %arg13: memref<!tpu.dma_semaphore, #tpu.memory_space<semaphore_mem>>, %arg14: memref<!tpu.dma_semaphore, #tpu.memory_space<semaphore_mem>>) attributes {dimension_semantics = [#tpu.dimension_semantics<core_parallel>, #tpu.dimension_semantics<subcore_parallel>], iteration_bounds = array<i64: 2, 16>, scalar_prefetch = 0 : i64, scratch_operands = 10 : i64, tpu.core_type = #tpu.core_type<sc_vector_subcore>, window_params = [{transform_indices = #map}, {transform_indices = #map1}, {transform_indices = #map1}]} {
    %mul3A = arith.constant 2 : i32
    %mul3A_0 = arith.muli %arg1, %mul3A : i32
    %add3A = arith.addi %mul3A_0, %arg0 : i32
    %scan3A = arith.constant 0 : i32
    %scan3A_1 = arith.constant 0 : i32
    %scan3A_2 = arith.constant 128 : i32
    %scan3A_3 = arith.addi %scan3A_1, %scan3A_2 : i32
    %scan3A_4 = arith.constant 1 : i32
    %scan3A_5 = scf.for %scan3A_42 = %scan3A_1 to %scan3A_3 step %scan3A_4 iter_args(%scan3A_43 = %scan3A) -> (i32)  : i32 {
      %broadcast_in_dim3A = arith.constant 0.000000e+00 : f32
      %broadcast_in_dim3A_44 = vector.broadcast %broadcast_in_dim3A : f32 to vector<16xf32>
      %swap3A = arith.index_cast %scan3A_42 : i32 to index
      %swap3A_45 = arith.constant 0 : index
      %swap3A_46 = tpu.vector_load %arg10[%swap3A, %swap3A_45] {strides = array<i32>} : memref<128x128xf32, #tpu.memory_space<vmem>>, vector<1x16xf32>,
      %swap3A_47 = vector.shape_cast %swap3A_46 : vector<1x16xf32> to vector<16xf32>
      %swap3A_48 = vector.shape_cast %broadcast_in_dim3A_44 : vector<16xf32> to vector<1x16xf32>
      tpu.vector_store %arg10[%swap3A, %swap3A_45], %swap3A_48 {strides = array<i32>} : memref<128x128xf32, #tpu.memory_space<vmem>>, vector<1x16xf32>,
      %broadcast_in_dim3A_49 = arith.constant 0.000000e+00 : f32
      %broadcast_in_dim3A_50 = vector.broadcast %broadcast_in_dim3A_49 : f32 to vector<16xf32>
      %swap3A_51 = arith.index_cast %scan3A_42 : i32 to index
      %swap3A_52 = arith.constant 16 : index
      %swap3A_53 = tpu.vector_load %arg10[%swap3A_51, %swap3A_52] {strides = array<i32>} : memref<128x128xf32, #tpu.memory_space<vmem>>, vector<1x16xf32>,
      %swap3A_54 = vector.shape_cast %swap3A_53 : vector<1x16xf32> to vector<16xf32>
      %swap3A_55 = vector.shape_cast %broadcast_in_dim3A_50 : vector<16xf32> to vector<1x16xf32>
      tpu.vector_store %arg10[%swap3A_51, %swap3A_52], %swap3A_55 {strides = array<i32>} : memref<128x128xf32, #tpu.memory_space<vmem>>, vector<1x16xf32>,
      %broadcast_in_dim3A_56 = arith.constant 0.000000e+00 : f32
      %broadcast_in_dim3A_57 = vector.broadcast %broadcast_in_dim3A_56 : f32 to vector<16xf32>
      %swap3A_58 = arith.index_cast %scan3A_42 : i32 to index
      %swap3A_59 = arith.constant 32 : index
      %swap3A_60 = tpu.vector_load %arg10[%swap3A_58, %swap3A_59] {strides = array<i32>} : memref<128x128xf32, #tpu.memory_space<vmem>>, vector<1x16xf32>,
      %swap3A_61 = vector.shape_cast %swap3A_60 : vector<1x16xf32> to vector<16xf32>
      %swap3A_62 = vector.shape_cast %broadcast_in_dim3A_57 : vector<16xf32> to vector<1x16xf32>
      tpu.vector_store %arg10[%swap3A_58, %swap3A_59], %swap3A_62 {strides = array<i32>} : memref<128x128xf32, #tpu.memory_space<vmem>>, vector<1x16xf32>,
      %broadcast_in_dim3A_63 = arith.constant 0.000000e+00 : f32
      %broadcast_in_dim3A_64 = vector.broadcast %broadcast_in_dim3A_63 : f32 to vector<16xf32>
      %swap3A_65 = arith.index_cast %scan3A_42 : i32 to index
      %swap3A_66 = arith.constant 48 : index
      %swap3A_67 = tpu.vector_load %arg10[%swap3A_65, %swap3A_66] {strides = array<i32>} : memref<128x128xf32, #tpu.memory_space<vmem>>, vector<1x16xf32>,
      %swap3A_68 = vector.shape_cast %swap3A_67 : vector<1x16xf32> to vector<16xf32>
      %swap3A_69 = vector.shape_cast %broadcast_in_dim3A_64 : vector<16xf32> to vector<1x16xf32>
      tpu.vector_store %arg10[%swap3A_65, %swap3A_66], %swap3A_69 {strides = array<i32>} : memref<128x128xf32, #tpu.memory_space<vmem>>, vector<1x16xf32>,
      %broadcast_in_dim3A_70 = arith.constant 0.000000e+00 : f32
      %broadcast_in_dim3A_71 = vector.broadcast %broadcast_in_dim3A_70 : f32 to vector<16xf32>
      %swap3A_72 = arith.index_cast %scan3A_42 : i32 to index
      %swap3A_73 = arith.constant 64 : index
      %swap3A_74 = tpu.vector_load %arg10[%swap3A_72, %swap3A_73] {strides = array<i32>} : memref<128x128xf32, #tpu.memory_space<vmem>>, vector<1x16xf32>,
      %swap3A_75 = vector.shape_cast %swap3A_74 : vector<1x16xf32> to vector<16xf32>
      %swap3A_76 = vector.shape_cast %broadcast_in_dim3A_71 : vector<16xf32> to vector<1x16xf32>
      tpu.vector_store %arg10[%swap3A_72, %swap3A_73], %swap3A_76 {strides = array<i32>} : memref<128x128xf32, #tpu.memory_space<vmem>>, vector<1x16xf32>,
      %broadcast_in_dim3A_77 = arith.constant 0.000000e+00 : f32
      %broadcast_in_dim3A_78 = vector.broadcast %broadcast_in_dim3A_77 : f32 to vector<16xf32>
      %swap3A_79 = arith.index_cast %scan3A_42 : i32 to index
      %swap3A_80 = arith.constant 80 : index
      %swap3A_81 = tpu.vector_load %arg10[%swap3A_79, %swap3A_80] {strides = array<i32>} : memref<128x128xf32, #tpu.memory_space<vmem>>, vector<1x16xf32>,
      %swap3A_82 = vector.shape_cast %swap3A_81 : vector<1x16xf32> to vector<16xf32>
      %swap3A_83 = vector.shape_cast %broadcast_in_dim3A_78 : vector<16xf32> to vector<1x16xf32>
      tpu.vector_store %arg10[%swap3A_79, %swap3A_80], %swap3A_83 {strides = array<i32>} : memref<128x128xf32, #tpu.memory_space<vmem>>, vector<1x16xf32>,
      %broadcast_in_dim3A_84 = arith.constant 0.000000e+00 : f32
      %broadcast_in_dim3A_85 = vector.broadcast %broadcast_in_dim3A_84 : f32 to vector<16xf32>
      %swap3A_86 = arith.index_cast %scan3A_42 : i32 to index
      %swap3A_87 = arith.constant 96 : index
      %swap3A_88 = tpu.vector_load %arg10[%swap3A_86, %swap3A_87] {strides = array<i32>} : memref<128x128xf32, #tpu.memory_space<vmem>>, vector<1x16xf32>,
      %swap3A_89 = vector.shape_cast %swap3A_88 : vector<1x16xf32> to vector<16xf32>
      %swap3A_90 = vector.shape_cast %broadcast_in_dim3A_85 : vector<16xf32> to vector<1x16xf32>
      tpu.vector_store %arg10[%swap3A_86, %swap3A_87], %swap3A_90 {strides = array<i32>} : memref<128x128xf32, #tpu.memory_space<vmem>>, vector<1x16xf32>,
      %broadcast_in_dim3A_91 = arith.constant 0.000000e+00 : f32
      %broadcast_in_dim3A_92 = vector.broadcast %broadcast_in_dim3A_91 : f32 to vector<16xf32>
      %swap3A_93 = arith.index_cast %scan3A_42 : i32 to index
      %swap3A_94 = arith.constant 112 : index
      %swap3A_95 = tpu.vector_load %arg10[%swap3A_93, %swap3A_94] {strides = array<i32>} : memref<128x128xf32, #tpu.memory_space<vmem>>, vector<1x16xf32>,
      %swap3A_96 = vector.shape_cast %swap3A_95 : vector<1x16xf32> to vector<16xf32>
      %swap3A_97 = vector.shape_cast %broadcast_in_dim3A_92 : vector<16xf32> to vector<1x16xf32>
      tpu.vector_store %arg10[%swap3A_93, %swap3A_94], %swap3A_97 {strides = array<i32>} : memref<128x128xf32, #tpu.memory_space<vmem>>, vector<1x16xf32>,
      %scan3A_98 = arith.constant 0 : i32
      scf.yield %scan3A_98 : i32
    }
    %scan3A_6 = arith.constant 128 : i32
    %mul3A_7 = arith.constant 640 : i32
    %mul3A_8 = arith.muli %arg1, %mul3A_7 : i32
    %add3A_9 = arith.constant 0 : i32
    %add3A_10 = arith.addi %mul3A_8, %add3A_9 : i32
    "tpu.region"() ({
      %run_scoped3A = tpu.sem_alloc : memref<!tpu.dma_semaphore, #tpu.memory_space<semaphore_mem>>
      %dma_start3A_42 = arith.constant 0 : i32
      %dma_start3A_43 = tpu.memref_slice %arg12[%add3A_10, %dma_start3A_42] : memref<10240x128xf32, #tpu.memory_space<vmem_shared>> -> memref<128x128xf32, #tpu.memory_space<vmem_shared>>
      %dma_start3A_44 = arith.constant 0 : i32
      %dma_start3A_45 = tpu.memref_slice %arg12[%add3A_10, %dma_start3A_44] : memref<10240x128xf32, #tpu.memory_space<vmem_shared>> -> memref<128x128xf32, #tpu.memory_space<vmem_shared>>
      tpu.enqueue_dma source(%arg10 : memref<128x128xf32, #tpu.memory_space<vmem>>) target(%dma_start3A_45 : memref<128x128xf32, #tpu.memory_space<vmem_shared>>) target_semaphore(%run_scoped3A : memref<!tpu.dma_semaphore, #tpu.memory_space<semaphore_mem>>)
      %dma_wait3A = arith.constant 0 : i32
      %dma_wait3A_46 = tpu.memref_slice %arg12[%add3A_10, %dma_wait3A] : memref<10240x128xf32, #tpu.memory_space<vmem_shared>> -> memref<128x128xf32, #tpu.memory_space<vmem_shared>>
      %dma_wait3A_47 = arith.constant 0 : i32
      %dma_wait3A_48 = tpu.memref_slice %arg12[%add3A_10, %dma_wait3A_47] : memref<10240x128xf32, #tpu.memory_space<vmem_shared>> -> memref<128x128xf32, #tpu.memory_space<vmem_shared>>
      tpu.wait_dma2 semaphore(%run_scoped3A : memref<!tpu.dma_semaphore, #tpu.memory_space<semaphore_mem>>) src(%arg10 : memref<128x128xf32, #tpu.memory_space<vmem>>) dst(%dma_wait3A_48 : memref<128x128xf32, #tpu.memory_space<vmem_shared>>)
      tpu.yield
    }) : () -> ()
    %add3A_11 = arith.constant 128 : i32
    %add3A_12 = arith.addi %mul3A_8, %add3A_11 : i32
    "tpu.region"() ({
      %run_scoped3A = tpu.sem_alloc : memref<!tpu.dma_semaphore, #tpu.memory_space<semaphore_mem>>
      %dma_start3A_42 = arith.constant 0 : i32
      %dma_start3A_43 = tpu.memref_slice %arg12[%add3A_12, %dma_start3A_42] : memref<10240x128xf32, #tpu.memory_space<vmem_shared>> -> memref<128x128xf32, #tpu.memory_space<vmem_shared>>
      %dma_start3A_44 = arith.constant 0 : i32
      %dma_start3A_45 = tpu.memref_slice %arg12[%add3A_12, %dma_start3A_44] : memref<10240x128xf32, #tpu.memory_space<vmem_shared>> -> memref<128x128xf32, #tpu.memory_space<vmem_shared>>
      tpu.enqueue_dma source(%arg10 : memref<128x128xf32, #tpu.memory_space<vmem>>) target(%dma_start3A_45 : memref<128x128xf32, #tpu.memory_space<vmem_shared>>) target_semaphore(%run_scoped3A : memref<!tpu.dma_semaphore, #tpu.memory_space<semaphore_mem>>)
      %dma_wait3A = arith.constant 0 : i32
      %dma_wait3A_46 = tpu.memref_slice %arg12[%add3A_12, %dma_wait3A] : memref<10240x128xf32, #tpu.memory_space<vmem_shared>> -> memref<128x128xf32, #tpu.memory_space<vmem_shared>>
      %dma_wait3A_47 = arith.constant 0 : i32
      %dma_wait3A_48 = tpu.memref_slice %arg12[%add3A_12, %dma_wait3A_47] : memref<10240x128xf32, #tpu.memory_space<vmem_shared>> -> memref<128x128xf32, #tpu.memory_space<vmem_shared>>
      tpu.wait_dma2 semaphore(%run_scoped3A : memref<!tpu.dma_semaphore, #tpu.memory_space<semaphore_mem>>) src(%arg10 : memref<128x128xf32, #tpu.memory_space<vmem>>) dst(%dma_wait3A_48 : memref<128x128xf32, #tpu.memory_space<vmem_shared>>)
      tpu.yield
    }) : () -> ()
    %add3A_13 = arith.constant 256 : i32
    %add3A_14 = arith.addi %mul3A_8, %add3A_13 : i32
    "tpu.region"() ({
      %run_scoped3A = tpu.sem_alloc : memref<!tpu.dma_semaphore, #tpu.memory_space<semaphore_mem>>
      %dma_start3A_42 = arith.constant 0 : i32
      %dma_start3A_43 = tpu.memref_slice %arg12[%add3A_14, %dma_start3A_42] : memref<10240x128xf32, #tpu.memory_space<vmem_shared>> -> memref<128x128xf32, #tpu.memory_space<vmem_shared>>
      %dma_start3A_44 = arith.constant 0 : i32
      %dma_start3A_45 = tpu.memref_slice %arg12[%add3A_14, %dma_start3A_44] : memref<10240x128xf32, #tpu.memory_space<vmem_shared>> -> memref<128x128xf32, #tpu.memory_space<vmem_shared>>
      tpu.enqueue_dma source(%arg10 : memref<128x128xf32, #tpu.memory_space<vmem>>) target(%dma_start3A_45 : memref<128x128xf32, #tpu.memory_space<vmem_shared>>) target_semaphore(%run_scoped3A : memref<!tpu.dma_semaphore, #tpu.memory_space<semaphore_mem>>)
      %dma_wait3A = arith.constant 0 : i32
      %dma_wait3A_46 = tpu.memref_slice %arg12[%add3A_14, %dma_wait3A] : memref<10240x128xf32, #tpu.memory_space<vmem_shared>> -> memref<128x128xf32, #tpu.memory_space<vmem_shared>>
      %dma_wait3A_47 = arith.constant 0 : i32
      %dma_wait3A_48 = tpu.memref_slice %arg12[%add3A_14, %dma_wait3A_47] : memref<10240x128xf32, #tpu.memory_space<vmem_shared>> -> memref<128x128xf32, #tpu.memory_space<vmem_shared>>
      tpu.wait_dma2 semaphore(%run_scoped3A : memref<!tpu.dma_semaphore, #tpu.memory_space<semaphore_mem>>) src(%arg10 : memref<128x128xf32, #tpu.memory_space<vmem>>) dst(%dma_wait3A_48 : memref<128x128xf32, #tpu.memory_space<vmem_shared>>)
      tpu.yield
    }) : () -> ()
    %add3A_15 = arith.constant 384 : i32
    %add3A_16 = arith.addi %mul3A_8, %add3A_15 : i32
    "tpu.region"() ({
      %run_scoped3A = tpu.sem_alloc : memref<!tpu.dma_semaphore, #tpu.memory_space<semaphore_mem>>
      %dma_start3A_42 = arith.constant 0 : i32
      %dma_start3A_43 = tpu.memref_slice %arg12[%add3A_16, %dma_start3A_42] : memref<10240x128xf32, #tpu.memory_space<vmem_shared>> -> memref<128x128xf32, #tpu.memory_space<vmem_shared>>
      %dma_start3A_44 = arith.constant 0 : i32
      %dma_start3A_45 = tpu.memref_slice %arg12[%add3A_16, %dma_start3A_44] : memref<10240x128xf32, #tpu.memory_space<vmem_shared>> -> memref<128x128xf32, #tpu.memory_space<vmem_shared>>
      tpu.enqueue_dma source(%arg10 : memref<128x128xf32, #tpu.memory_space<vmem>>) target(%dma_start3A_45 : memref<128x128xf32, #tpu.memory_space<vmem_shared>>) target_semaphore(%run_scoped3A : memref<!tpu.dma_semaphore, #tpu.memory_space<semaphore_mem>>)
      %dma_wait3A = arith.constant 0 : i32
      %dma_wait3A_46 = tpu.memref_slice %arg12[%add3A_16, %dma_wait3A] : memref<10240x128xf32, #tpu.memory_space<vmem_shared>> -> memref<128x128xf32, #tpu.memory_space<vmem_shared>>
      %dma_wait3A_47 = arith.constant 0 : i32
      %dma_wait3A_48 = tpu.memref_slice %arg12[%add3A_16, %dma_wait3A_47] : memref<10240x128xf32, #tpu.memory_space<vmem_shared>> -> memref<128x128xf32, #tpu.memory_space<vmem_shared>>
      tpu.wait_dma2 semaphore(%run_scoped3A : memref<!tpu.dma_semaphore, #tpu.memory_space<semaphore_mem>>) src(%arg10 : memref<128x128xf32, #tpu.memory_space<vmem>>) dst(%dma_wait3A_48 : memref<128x128xf32, #tpu.memory_space<vmem_shared>>)
      tpu.yield
    }) : () -> ()
    %add3A_17 = arith.constant 512 : i32
    %add3A_18 = arith.addi %mul3A_8, %add3A_17 : i32
    "tpu.region"() ({
      %run_scoped3A = tpu.sem_alloc : memref<!tpu.dma_semaphore, #tpu.memory_space<semaphore_mem>>
      %dma_start3A_42 = arith.constant 0 : i32
      %dma_start3A_43 = tpu.memref_slice %arg12[%add3A_18, %dma_start3A_42] : memref<10240x128xf32, #tpu.memory_space<vmem_shared>> -> memref<128x128xf32, #tpu.memory_space<vmem_shared>>
      %dma_start3A_44 = arith.constant 0 : i32
      %dma_start3A_45 = tpu.memref_slice %arg12[%add3A_18, %dma_start3A_44] : memref<10240x128xf32, #tpu.memory_space<vmem_shared>> -> memref<128x128xf32, #tpu.memory_space<vmem_shared>>
      tpu.enqueue_dma source(%arg10 : memref<128x128xf32, #tpu.memory_space<vmem>>) target(%dma_start3A_45 : memref<128x128xf32, #tpu.memory_space<vmem_shared>>) target_semaphore(%run_scoped3A : memref<!tpu.dma_semaphore, #tpu.memory_space<semaphore_mem>>)
      %dma_wait3A = arith.constant 0 : i32
      %dma_wait3A_46 = tpu.memref_slice %arg12[%add3A_18, %dma_wait3A] : memref<10240x128xf32, #tpu.memory_space<vmem_shared>> -> memref<128x128xf32, #tpu.memory_space<vmem_shared>>
      %dma_wait3A_47 = arith.constant 0 : i32
      %dma_wait3A_48 = tpu.memref_slice %arg12[%add3A_18, %dma_wait3A_47] : memref<10240x128xf32, #tpu.memory_space<vmem_shared>> -> memref<128x128xf32, #tpu.memory_space<vmem_shared>>
      tpu.wait_dma2 semaphore(%run_scoped3A : memref<!tpu.dma_semaphore, #tpu.memory_space<semaphore_mem>>) src(%arg10 : memref<128x128xf32, #tpu.memory_space<vmem>>) dst(%dma_wait3A_48 : memref<128x128xf32, #tpu.memory_space<vmem_shared>>)
      tpu.yield
    }) : () -> ()
    "tpu.region"() ({
      %run_scoped3A = tpu.sem_alloc : memref<!tpu.dma_semaphore, #tpu.memory_space<semaphore_mem>>
      %dma_start3A_42 = arith.constant 0 : i32
      %dma_start3A_43 = arith.constant 0 : i32
      %dma_start3A_44 = tpu.memref_slice %arg3[%add3A, %dma_start3A_42, %dma_start3A_43] : memref<32x80x128xi32, #tpu.memory_space<hbm>> -> memref<1x80x128xi32, #tpu.memory_space<hbm>>
      %dma_start3A_45 = tpu.memref_squeeze %dma_start3A_44 : memref<1x80x128xi32, #tpu.memory_space<hbm>> -> memref<80x128xi32, #tpu.memory_space<hbm>>
      %dma_start3A_46 = arith.constant 0 : i32
      %dma_start3A_47 = arith.constant 0 : i32
      %dma_start3A_48 = tpu.memref_slice %arg3[%add3A, %dma_start3A_46, %dma_start3A_47] : memref<32x80x128xi32, #tpu.memory_space<hbm>> -> memref<1x80x128xi32, #tpu.memory_space<hbm>>
      %dma_start3A_49 = tpu.memref_squeeze %dma_start3A_48 : memref<1x80x128xi32, #tpu.memory_space<hbm>> -> memref<80x128xi32, #tpu.memory_space<hbm>>
      tpu.enqueue_dma source(%dma_start3A_49 : memref<80x128xi32, #tpu.memory_space<hbm>>) target(%arg5 : memref<80x128xi32, #tpu.memory_space<vmem>>) target_semaphore(%run_scoped3A : memref<!tpu.dma_semaphore, #tpu.memory_space<semaphore_mem>>)
      %dma_wait3A = arith.constant 0 : i32
      %dma_wait3A_50 = arith.constant 0 : i32
      %dma_wait3A_51 = tpu.memref_slice %arg3[%add3A, %dma_wait3A, %dma_wait3A_50] : memref<32x80x128xi32, #tpu.memory_space<hbm>> -> memref<1x80x128xi32, #tpu.memory_space<hbm>>
      %dma_wait3A_52 = tpu.memref_squeeze %dma_wait3A_51 : memref<1x80x128xi32, #tpu.memory_space<hbm>> -> memref<80x128xi32, #tpu.memory_space<hbm>>
      %dma_wait3A_53 = arith.constant 0 : i32
      %dma_wait3A_54 = arith.constant 0 : i32
      %dma_wait3A_55 = tpu.memref_slice %arg3[%add3A, %dma_wait3A_53, %dma_wait3A_54] : memref<32x80x128xi32, #tpu.memory_space<hbm>> -> memref<1x80x128xi32, #tpu.memory_space<hbm>>
      %dma_wait3A_56 = tpu.memref_squeeze %dma_wait3A_55 : memref<1x80x128xi32, #tpu.memory_space<hbm>> -> memref<80x128xi32, #tpu.memory_space<hbm>>
      tpu.wait_dma2 semaphore(%run_scoped3A : memref<!tpu.dma_semaphore, #tpu.memory_space<semaphore_mem>>) src(%dma_wait3A_56 : memref<80x128xi32, #tpu.memory_space<hbm>>) dst(%arg5 : memref<80x128xi32, #tpu.memory_space<vmem>>)
      tpu.yield
    }) : () -> ()
    %barrier3A = arith.constant 0 : index
    tpu.barrier barrier_id(%barrier3A)
    %scan3A_19 = arith.constant 16383 : i32
    %scan3A_20 = arith.constant 0 : i32
    %scan3A_21 = arith.constant 0 : i32
    %scan3A_22 = arith.constant 8 : i32
    %scan3A_23 = arith.addi %scan3A_21, %scan3A_22 : i32
    %scan3A_24 = arith.constant 1 : i32
    %scan3A_25 = scf.for %scan3A_42 = %scan3A_21 to %scan3A_23 step %scan3A_24 iter_args(%scan3A_43 = %scan3A_20) -> (i32)  : i32 {
      %mul3A_44 = arith.constant 16 : i32
      %mul3A_45 = arith.muli %scan3A_42, %mul3A_44 : i32
      %get3A = arith.constant 0 : i32
      %get3A_46 = arith.index_cast %get3A : i32 to index
      %get3A_47 = arith.index_cast %mul3A_45 : i32 to index
      %get3A_48 = tpu.vector_load %arg5[%get3A_46, %get3A_47] {strides = array<i32>} : memref<80x128xi32, #tpu.memory_space<vmem>>, vector<1x16xi32>,
      %get3A_49 = vector.shape_cast %get3A_48 : vector<1x16xi32> to vector<16xi32>
      %and3A = vector.broadcast %scan3A_19 : i32 to vector<16xi32>
      %and3A_50 = arith.andi %get3A_49, %and3A : vector<16xi32>
      %mul3A_51 = arith.constant 16 : i32
      %mul3A_52 = arith.muli %scan3A_42, %mul3A_51 : i32
      %swap3A = arith.index_cast %mul3A_52 : i32 to index
      %swap3A_53 = tpu.vector_load %arg6[%swap3A] {strides = array<i32>} : memref<128xi32, #tpu.memory_space<vmem>>, vector<16xi32>,
      %swap3A_54 = vector.shape_cast %swap3A_53 : vector<16xi32> to vector<16xi32>
      %swap3A_55 = vector.shape_cast %and3A_50 : vector<16xi32> to vector<16xi32>
      tpu.vector_store %arg6[%swap3A], %swap3A_55 {strides = array<i32>} : memref<128xi32, #tpu.memory_space<vmem>>, vector<16xi32>,
      %shift_right_logical3A = arith.constant 14 : i32
      %shift_right_logical3A_56 = vector.broadcast %shift_right_logical3A : i32 to vector<16xi32>
      %shift_right_logical3A_57 = arith.shrui %get3A_49, %shift_right_logical3A_56 : vector<16xi32>
      %mul3A_58 = arith.constant 16 : i32
      %mul3A_59 = arith.muli %scan3A_42, %mul3A_58 : i32
      %swap3A_60 = arith.index_cast %mul3A_59 : i32 to index
      %swap3A_61 = tpu.vector_load %arg8[%swap3A_60] {strides = array<i32>} : memref<128xi32, #tpu.memory_space<vmem>>, vector<16xi32>,
      %swap3A_62 = vector.shape_cast %swap3A_61 : vector<16xi32> to vector<16xi32>
      %swap3A_63 = vector.shape_cast %shift_right_logical3A_57 : vector<16xi32> to vector<16xi32>
      tpu.vector_store %arg8[%swap3A_60], %swap3A_63 {strides = array<i32>} : memref<128xi32, #tpu.memory_space<vmem>>, vector<16xi32>,
      %scan3A_64 = arith.constant 0 : i32
      scf.yield %scan3A_64 : i32
    }
    %scan3A_26 = arith.constant 8 : i32
    %dma_start3A = arith.constant 0 : i32
    %dma_start3A_27 = arith.constant 0 : i32
    %dma_start3A_28 = tpu.memref_slice %arg2[%dma_start3A, %dma_start3A_27] : memref<10000x128xf32, #tpu.memory_space<hbm>> -> memref<10000x128xf32, #tpu.memory_space<hbm>>
    tpu.enqueue_indirect_dma source(%dma_start3A_28 : memref<10000x128xf32, #tpu.memory_space<hbm>>) target(%arg10 : memref<128x128xf32, #tpu.memory_space<vmem>>) offsets(%arg6 : memref<128xi32, #tpu.memory_space<vmem>>) semaphore(%arg13 : memref<!tpu.dma_semaphore, #tpu.memory_space<semaphore_mem>>)
    %scan3A_29 = arith.constant 16383 : i32
    %scan3A_30 = arith.constant 0 : i32
    %scan3A_31 = arith.constant 0 : i32
    %scan3A_32 = arith.constant 40 : i32
    %scan3A_33 = arith.addi %scan3A_31, %scan3A_32 : i32
    %scan3A_34 = arith.constant 1 : i32
    %scan3A_35 = scf.for %scan3A_42 = %scan3A_31 to %scan3A_33 step %scan3A_34 iter_args(%scan3A_43 = %scan3A_30) -> (i32)  : i32 {
      %mul3A_44 = arith.constant 2 : i32
      %mul3A_45 = arith.muli %mul3A_44, %scan3A_42 : i32
      %add3A_46 = arith.constant 1 : i32
      %add3A_47 = arith.addi %mul3A_45, %add3A_46 : i32
      %scan3A_48 = arith.constant 0 : i32
      %scan3A_49 = arith.constant 0 : i32
      %scan3A_50 = arith.constant 8 : i32
      %scan3A_51 = arith.addi %scan3A_49, %scan3A_50 : i32
      %scan3A_52 = arith.constant 1 : i32
      %scan3A_53 = scf.for %scan3A_66 = %scan3A_49 to %scan3A_51 step %scan3A_52 iter_args(%scan3A_67 = %scan3A_48) -> (i32)  : i32 {
        %mul3A_68 = arith.constant 16 : i32
        %mul3A_69 = arith.muli %scan3A_66, %mul3A_68 : i32
        %get3A = arith.index_cast %add3A_47 : i32 to index
        %get3A_70 = arith.index_cast %mul3A_69 : i32 to index
        %get3A_71 = tpu.vector_load %arg5[%get3A, %get3A_70] {strides = array<i32>} : memref<80x128xi32, #tpu.memory_space<vmem>>, vector<1x16xi32>,
        %get3A_72 = vector.shape_cast %get3A_71 : vector<1x16xi32> to vector<16xi32>
        %and3A = vector.broadcast %scan3A_29 : i32 to vector<16xi32>
        %and3A_73 = arith.andi %get3A_72, %and3A : vector<16xi32>
        %mul3A_74 = arith.constant 16 : i32
        %mul3A_75 = arith.muli %scan3A_66, %mul3A_74 : i32
        %swap3A = arith.index_cast %mul3A_75 : i32 to index
        %swap3A_76 = tpu.vector_load %arg7[%swap3A] {strides = array<i32>} : memref<128xi32, #tpu.memory_space<vmem>>, vector<16xi32>,
        %swap3A_77 = vector.shape_cast %swap3A_76 : vector<16xi32> to vector<16xi32>
        %swap3A_78 = vector.shape_cast %and3A_73 : vector<16xi32> to vector<16xi32>
        tpu.vector_store %arg7[%swap3A], %swap3A_78 {strides = array<i32>} : memref<128xi32, #tpu.memory_space<vmem>>, vector<16xi32>,
        %shift_right_logical3A = arith.constant 14 : i32
        %shift_right_logical3A_79 = vector.broadcast %shift_right_logical3A : i32 to vector<16xi32>
        %shift_right_logical3A_80 = arith.shrui %get3A_72, %shift_right_logical3A_79 : vector<16xi32>
        %mul3A_81 = arith.constant 16 : i32
        %mul3A_82 = arith.muli %scan3A_66, %mul3A_81 : i32
        %swap3A_83 = arith.index_cast %mul3A_82 : i32 to index
        %swap3A_84 = tpu.vector_load %arg9[%swap3A_83] {strides = array<i32>} : memref<128xi32, #tpu.memory_space<vmem>>, vector<16xi32>,
        %swap3A_85 = vector.shape_cast %swap3A_84 : vector<16xi32> to vector<16xi32>
        %swap3A_86 = vector.shape_cast %shift_right_logical3A_80 : vector<16xi32> to vector<16xi32>
        tpu.vector_store %arg9[%swap3A_83], %swap3A_86 {strides = array<i32>} : memref<128xi32, #tpu.memory_space<vmem>>, vector<16xi32>,
        %scan3A_87 = arith.constant 0 : i32
        scf.yield %scan3A_87 : i32
      }
      %scan3A_54 = arith.constant 8 : i32
      %dma_start3A_55 = arith.constant 0 : i32
      %dma_start3A_56 = arith.constant 0 : i32
      %dma_start3A_57 = tpu.memref_slice %arg2[%dma_start3A_55, %dma_start3A_56] : memref<10000x128xf32, #tpu.memory_space<hbm>> -> memref<10000x128xf32, #tpu.memory_space<hbm>>
      tpu.enqueue_indirect_dma source(%dma_start3A_57 : memref<10000x128xf32, #tpu.memory_space<hbm>>) target(%arg11 : memref<128x128xf32, #tpu.memory_space<vmem>>) offsets(%arg7 : memref<128xi32, #tpu.memory_space<vmem>>) semaphore(%arg14 : memref<!tpu.dma_semaphore, #tpu.memory_space<semaphore_mem>>)
      %dma_wait3A = arith.constant 0 : i32
      %dma_wait3A_58 = arith.constant 0 : i32
      %dma_wait3A_59 = tpu.memref_slice %arg2[%dma_wait3A, %dma_wait3A_58] : memref<10000x128xf32, #tpu.memory_space<hbm>> -> memref<10000x128xf32, #tpu.memory_space<hbm>>
      tpu.wait_indirect_dma semaphore(%arg13 : memref<!tpu.dma_semaphore, #tpu.memory_space<semaphore_mem>>) src(%dma_wait3A_59 : memref<10000x128xf32, #tpu.memory_space<hbm>>) dst(%arg10 : memref<128x128xf32, #tpu.memory_space<vmem>>)
      "tpu.region"() ({
        %run_scoped3A = tpu.sem_alloc : memref<!tpu.dma_semaphore, #tpu.memory_space<semaphore_mem>>
        %dma_start3A_66 = arith.constant 0 : i32
        %dma_start3A_67 = arith.constant 0 : i32
        %dma_start3A_68 = tpu.memref_slice %arg12[%dma_start3A_66, %dma_start3A_67] : memref<10240x128xf32, #tpu.memory_space<vmem_shared>> -> memref<10240x128xf32, #tpu.memory_space<vmem_shared>>
        tpu.enqueue_indirect_dma source(%arg10 : memref<128x128xf32, #tpu.memory_space<vmem>>) target(%dma_start3A_68 : memref<10240x128xf32, #tpu.memory_space<vmem_shared>>) offsets(%arg8 : memref<128xi32, #tpu.memory_space<vmem>>) semaphore(%run_scoped3A : memref<!tpu.dma_semaphore, #tpu.memory_space<semaphore_mem>>) {add = true}
        %dma_wait3A_69 = arith.constant 0 : i32
        %dma_wait3A_70 = arith.constant 0 : i32
        %dma_wait3A_71 = tpu.memref_slice %arg12[%dma_wait3A_69, %dma_wait3A_70] : memref<10240x128xf32, #tpu.memory_space<vmem_shared>> -> memref<10240x128xf32, #tpu.memory_space<vmem_shared>>
        tpu.wait_indirect_dma semaphore(%run_scoped3A : memref<!tpu.dma_semaphore, #tpu.memory_space<semaphore_mem>>) src(%arg10 : memref<128x128xf32, #tpu.memory_space<vmem>>) dst(%dma_wait3A_71 : memref<10240x128xf32, #tpu.memory_space<vmem_shared>>)
        tpu.yield
      }) : () -> ()
      %lt3A = arith.constant 39 : i32
      %lt3A_60 = arith.cmpi slt, %scan3A_42, %lt3A : i32
      %convert_element_type3A = arith.extui %lt3A_60 : i1 to i32
      %cond3A = arith.constant 0 : i32
      %cond3A_61 = arith.cmpi ne, %convert_element_type3A, %cond3A : i32
      scf.if %cond3A_61 {
        %add3A_66 = arith.constant 2 : i32
        %add3A_67 = arith.addi %mul3A_45, %add3A_66 : i32
        %scan3A_68 = arith.constant 0 : i32
        %scan3A_69 = arith.constant 0 : i32
        %scan3A_70 = arith.constant 8 : i32
        %scan3A_71 = arith.addi %scan3A_69, %scan3A_70 : i32
        %scan3A_72 = arith.constant 1 : i32
        %scan3A_73 = scf.for %scan3A_78 = %scan3A_69 to %scan3A_71 step %scan3A_72 iter_args(%scan3A_79 = %scan3A_68) -> (i32)  : i32 {
          %mul3A_80 = arith.constant 16 : i32
          %mul3A_81 = arith.muli %scan3A_78, %mul3A_80 : i32
          %get3A = arith.index_cast %add3A_67 : i32 to index
          %get3A_82 = arith.index_cast %mul3A_81 : i32 to index
          %get3A_83 = tpu.vector_load %arg5[%get3A, %get3A_82] {strides = array<i32>} : memref<80x128xi32, #tpu.memory_space<vmem>>, vector<1x16xi32>,
          %get3A_84 = vector.shape_cast %get3A_83 : vector<1x16xi32> to vector<16xi32>
          %and3A = vector.broadcast %scan3A_29 : i32 to vector<16xi32>
          %and3A_85 = arith.andi %get3A_84, %and3A : vector<16xi32>
          %mul3A_86 = arith.constant 16 : i32
          %mul3A_87 = arith.muli %scan3A_78, %mul3A_86 : i32
          %swap3A = arith.index_cast %mul3A_87 : i32 to index
          %swap3A_88 = tpu.vector_load %arg6[%swap3A] {strides = array<i32>} : memref<128xi32, #tpu.memory_space<vmem>>, vector<16xi32>,
          %swap3A_89 = vector.shape_cast %swap3A_88 : vector<16xi32> to vector<16xi32>
          %swap3A_90 = vector.shape_cast %and3A_85 : vector<16xi32> to vector<16xi32>
          tpu.vector_store %arg6[%swap3A], %swap3A_90 {strides = array<i32>} : memref<128xi32, #tpu.memory_space<vmem>>, vector<16xi32>,
          %shift_right_logical3A = arith.constant 14 : i32
          %shift_right_logical3A_91 = vector.broadcast %shift_right_logical3A : i32 to vector<16xi32>
          %shift_right_logical3A_92 = arith.shrui %get3A_84, %shift_right_logical3A_91 : vector<16xi32>
          %mul3A_93 = arith.constant 16 : i32
          %mul3A_94 = arith.muli %scan3A_78, %mul3A_93 : i32
          %swap3A_95 = arith.index_cast %mul3A_94 : i32 to index
          %swap3A_96 = tpu.vector_load %arg8[%swap3A_95] {strides = array<i32>} : memref<128xi32, #tpu.memory_space<vmem>>, vector<16xi32>,
          %swap3A_97 = vector.shape_cast %swap3A_96 : vector<16xi32> to vector<16xi32>
          %swap3A_98 = vector.shape_cast %shift_right_logical3A_92 : vector<16xi32> to vector<16xi32>
          tpu.vector_store %arg8[%swap3A_95], %swap3A_98 {strides = array<i32>} : memref<128xi32, #tpu.memory_space<vmem>>, vector<16xi32>,
          %scan3A_99 = arith.constant 0 : i32
          scf.yield %scan3A_99 : i32
        }
        %scan3A_74 = arith.constant 8 : i32
        %dma_start3A_75 = arith.constant 0 : i32
        %dma_start3A_76 = arith.constant 0 : i32
        %dma_start3A_77 = tpu.memref_slice %arg2[%dma_start3A_75, %dma_start3A_76] : memref<10000x128xf32, #tpu.memory_space<hbm>> -> memref<10000x128xf32, #tpu.memory_space<hbm>>
        tpu.enqueue_indirect_dma source(%dma_start3A_77 : memref<10000x128xf32, #tpu.memory_space<hbm>>) target(%arg10 : memref<128x128xf32, #tpu.memory_space<vmem>>) offsets(%arg6 : memref<128xi32, #tpu.memory_space<vmem>>) semaphore(%arg13 : memref<!tpu.dma_semaphore, #tpu.memory_space<semaphore_mem>>)
      } else {
      }
      %dma_wait3A_62 = arith.constant 0 : i32
      %dma_wait3A_63 = arith.constant 0 : i32
      %dma_wait3A_64 = tpu.memref_slice %arg2[%dma_wait3A_62, %dma_wait3A_63] : memref<10000x128xf32, #tpu.memory_space<hbm>> -> memref<10000x128xf32, #tpu.memory_space<hbm>>
      tpu.wait_indirect_dma semaphore(%arg14 : memref<!tpu.dma_semaphore, #tpu.memory_space<semaphore_mem>>) src(%dma_wait3A_64 : memref<10000x128xf32, #tpu.memory_space<hbm>>) dst(%arg11 : memref<128x128xf32, #tpu.memory_space<vmem>>)
      "tpu.region"() ({
        %run_scoped3A = tpu.sem_alloc : memref<!tpu.dma_semaphore, #tpu.memory_space<semaphore_mem>>
        %dma_start3A_66 = arith.constant 0 : i32
        %dma_start3A_67 = arith.constant 0 : i32
        %dma_start3A_68 = tpu.memref_slice %arg12[%dma_start3A_66, %dma_start3A_67] : memref<10240x128xf32, #tpu.memory_space<vmem_shared>> -> memref<10240x128xf32, #tpu.memory_space<vmem_shared>>
        tpu.enqueue_indirect_dma source(%arg11 : memref<128x128xf32, #tpu.memory_space<vmem>>) target(%dma_start3A_68 : memref<10240x128xf32, #tpu.memory_space<vmem_shared>>) offsets(%arg9 : memref<128xi32, #tpu.memory_space<vmem>>) semaphore(%run_scoped3A : memref<!tpu.dma_semaphore, #tpu.memory_space<semaphore_mem>>) {add = true}
        %dma_wait3A_69 = arith.constant 0 : i32
        %dma_wait3A_70 = arith.constant 0 : i32
        %dma_wait3A_71 = tpu.memref_slice %arg12[%dma_wait3A_69, %dma_wait3A_70] : memref<10240x128xf32, #tpu.memory_space<vmem_shared>> -> memref<10240x128xf32, #tpu.memory_space<vmem_shared>>
        tpu.wait_indirect_dma semaphore(%run_scoped3A : memref<!tpu.dma_semaphore, #tpu.memory_space<semaphore_mem>>) src(%arg11 : memref<128x128xf32, #tpu.memory_space<vmem>>) dst(%dma_wait3A_71 : memref<10240x128xf32, #tpu.memory_space<vmem_shared>>)
        tpu.yield
      }) : () -> ()
      %scan3A_65 = arith.constant 0 : i32
      scf.yield %scan3A_65 : i32
    }
    %scan3A_36 = arith.constant 40 : i32
    %barrier3A_37 = arith.constant 0 : index
    tpu.barrier barrier_id(%barrier3A_37)
    %mul3A_38 = arith.constant 640 : i32
    %mul3A_39 = arith.muli %arg1, %mul3A_38 : i32
    %mul3A_40 = arith.constant 640 : i32
    %mul3A_41 = arith.muli %arg1, %mul3A_40 : i32
    "tpu.region"() ({
      %run_scoped3A = tpu.sem_alloc : memref<!tpu.dma_semaphore, #tpu.memory_space<semaphore_mem>>
      %dma_start3A_42 = arith.constant 0 : i32
      %dma_start3A_43 = tpu.memref_slice %arg4[%arg0, %mul3A_41, %dma_start3A_42] : memref<2x10240x128xf32, #tpu.memory_space<hbm>> -> memref<1x640x128xf32, #tpu.memory_space<hbm>>
      %dma_start3A_44 = tpu.memref_squeeze %dma_start3A_43 : memref<1x640x128xf32, #tpu.memory_space<hbm>> -> memref<640x128xf32, #tpu.memory_space<hbm>>
      %dma_start3A_45 = arith.constant 0 : i32
      %dma_start3A_46 = tpu.memref_slice %arg12[%mul3A_39, %dma_start3A_45] : memref<10240x128xf32, #tpu.memory_space<vmem_shared>> -> memref<640x128xf32, #tpu.memory_space<vmem_shared>>
      tpu.enqueue_dma source(%dma_start3A_46 : memref<640x128xf32, #tpu.memory_space<vmem_shared>>) target(%dma_start3A_44 : memref<640x128xf32, #tpu.memory_space<hbm>>) target_semaphore(%run_scoped3A : memref<!tpu.dma_semaphore, #tpu.memory_space<semaphore_mem>>)
      %dma_wait3A = arith.constant 0 : i32
      %dma_wait3A_47 = tpu.memref_slice %arg4[%arg0, %mul3A_41, %dma_wait3A] : memref<2x10240x128xf32, #tpu.memory_space<hbm>> -> memref<1x640x128xf32, #tpu.memory_space<hbm>>
      %dma_wait3A_48 = tpu.memref_squeeze %dma_wait3A_47 : memref<1x640x128xf32, #tpu.memory_space<hbm>> -> memref<640x128xf32, #tpu.memory_space<hbm>>
      %dma_wait3A_49 = arith.constant 0 : i32
      %dma_wait3A_50 = tpu.memref_slice %arg12[%mul3A_39, %dma_wait3A_49] : memref<10240x128xf32, #tpu.memory_space<vmem_shared>> -> memref<640x128xf32, #tpu.memory_space<vmem_shared>>
      tpu.wait_dma2 semaphore(%run_scoped3A : memref<!tpu.dma_semaphore, #tpu.memory_space<semaphore_mem>>) src(%dma_wait3A_50 : memref<640x128xf32, #tpu.memory_space<vmem_shared>>) dst(%dma_wait3A_48 : memref<640x128xf32, #tpu.memory_space<hbm>>)
      tpu.yield
    }) : () -> ()
    return
  }
}

#map = affine_map<(d0, d1) -> (0, 0)>
#map1 = affine_map<(d0, d1) -> (0, 0, 0)>
module attributes {stable_mosaic.version = 14 : i64} {
  func.func @_sc_spmm(%arg0: i32, %arg1: i32, %arg2: memref<10000x64xf32, #tpu.memory_space<hbm>>, %arg3: memref<32x80x128xi32, #tpu.memory_space<hbm>>, %arg4: memref<2x10240x64xf32, #tpu.memory_space<hbm>>, %arg5: memref<80x128xi32, #tpu.memory_space<vmem>>, %arg6: memref<128xi32, #tpu.memory_space<vmem>>, %arg7: memref<128xi32, #tpu.memory_space<vmem>>, %arg8: memref<128xi32, #tpu.memory_space<vmem>>, %arg9: memref<128xi32, #tpu.memory_space<vmem>>, %arg10: memref<128x64xf32, #tpu.memory_space<vmem>>, %arg11: memref<128x64xf32, #tpu.memory_space<vmem>>, %arg12: memref<10240x64xf32, #tpu.memory_space<vmem_shared>>, %arg13: memref<!tpu.dma_semaphore, #tpu.memory_space<semaphore_mem>>, %arg14: memref<!tpu.dma_semaphore, #tpu.memory_space<semaphore_mem>>) attributes {dimension_semantics = [#tpu.dimension_semantics<core_parallel>, #tpu.dimension_semantics<subcore_parallel>], iteration_bounds = array<i64: 2, 16>, scalar_prefetch = 0 : i64, scratch_operands = 10 : i64, tpu.core_type = #tpu.core_type<sc_vector_subcore>, window_params = [{transform_indices = #map}, {transform_indices = #map1}, {transform_indices = #map1}]} {
    %mul3A = arith.constant 2 : i32
    %mul3A_0 = arith.muli %arg1, %mul3A : i32
    %add3A = arith.addi %mul3A_0, %arg0 : i32
    %scan3A = arith.constant 0 : i32
    %scan3A_1 = arith.constant 0 : i32
    %scan3A_2 = arith.constant 128 : i32
    %scan3A_3 = arith.addi %scan3A_1, %scan3A_2 : i32
    %scan3A_4 = arith.constant 1 : i32
    %scan3A_5 = scf.for %scan3A_42 = %scan3A_1 to %scan3A_3 step %scan3A_4 iter_args(%scan3A_43 = %scan3A) -> (i32)  : i32 {
      %broadcast_in_dim3A = arith.constant 0.000000e+00 : f32
      %broadcast_in_dim3A_44 = vector.broadcast %broadcast_in_dim3A : f32 to vector<16xf32>
      %swap3A = arith.index_cast %scan3A_42 : i32 to index
      %swap3A_45 = arith.constant 0 : index
      %swap3A_46 = tpu.vector_load %arg10[%swap3A, %swap3A_45] {strides = array<i32>} : memref<128x64xf32, #tpu.memory_space<vmem>>, vector<1x16xf32>,
      %swap3A_47 = vector.shape_cast %swap3A_46 : vector<1x16xf32> to vector<16xf32>
      %swap3A_48 = vector.shape_cast %broadcast_in_dim3A_44 : vector<16xf32> to vector<1x16xf32>
      tpu.vector_store %arg10[%swap3A, %swap3A_45], %swap3A_48 {strides = array<i32>} : memref<128x64xf32, #tpu.memory_space<vmem>>, vector<1x16xf32>,
      %broadcast_in_dim3A_49 = arith.constant 0.000000e+00 : f32
      %broadcast_in_dim3A_50 = vector.broadcast %broadcast_in_dim3A_49 : f32 to vector<16xf32>
      %swap3A_51 = arith.index_cast %scan3A_42 : i32 to index
      %swap3A_52 = arith.constant 16 : index
      %swap3A_53 = tpu.vector_load %arg10[%swap3A_51, %swap3A_52] {strides = array<i32>} : memref<128x64xf32, #tpu.memory_space<vmem>>, vector<1x16xf32>,
      %swap3A_54 = vector.shape_cast %swap3A_53 : vector<1x16xf32> to vector<16xf32>
      %swap3A_55 = vector.shape_cast %broadcast_in_dim3A_50 : vector<16xf32> to vector<1x16xf32>
      tpu.vector_store %arg10[%swap3A_51, %swap3A_52], %swap3A_55 {strides = array<i32>} : memref<128x64xf32, #tpu.memory_space<vmem>>, vector<1x16xf32>,
      %broadcast_in_dim3A_56 = arith.constant 0.000000e+00 : f32
      %broadcast_in_dim3A_57 = vector.broadcast %broadcast_in_dim3A_56 : f32 to vector<16xf32>
      %swap3A_58 = arith.index_cast %scan3A_42 : i32 to index
      %swap3A_59 = arith.constant 32 : index
      %swap3A_60 = tpu.vector_load %arg10[%swap3A_58, %swap3A_59] {strides = array<i32>} : memref<128x64xf32, #tpu.memory_space<vmem>>, vector<1x16xf32>,
      %swap3A_61 = vector.shape_cast %swap3A_60 : vector<1x16xf32> to vector<16xf32>
      %swap3A_62 = vector.shape_cast %broadcast_in_dim3A_57 : vector<16xf32> to vector<1x16xf32>
      tpu.vector_store %arg10[%swap3A_58, %swap3A_59], %swap3A_62 {strides = array<i32>} : memref<128x64xf32, #tpu.memory_space<vmem>>, vector<1x16xf32>,
      %broadcast_in_dim3A_63 = arith.constant 0.000000e+00 : f32
      %broadcast_in_dim3A_64 = vector.broadcast %broadcast_in_dim3A_63 : f32 to vector<16xf32>
      %swap3A_65 = arith.index_cast %scan3A_42 : i32 to index
      %swap3A_66 = arith.constant 48 : index
      %swap3A_67 = tpu.vector_load %arg10[%swap3A_65, %swap3A_66] {strides = array<i32>} : memref<128x64xf32, #tpu.memory_space<vmem>>, vector<1x16xf32>,
      %swap3A_68 = vector.shape_cast %swap3A_67 : vector<1x16xf32> to vector<16xf32>
      %swap3A_69 = vector.shape_cast %broadcast_in_dim3A_64 : vector<16xf32> to vector<1x16xf32>
      tpu.vector_store %arg10[%swap3A_65, %swap3A_66], %swap3A_69 {strides = array<i32>} : memref<128x64xf32, #tpu.memory_space<vmem>>, vector<1x16xf32>,
      %scan3A_70 = arith.constant 0 : i32
      scf.yield %scan3A_70 : i32
    }
    %scan3A_6 = arith.constant 128 : i32
    %mul3A_7 = arith.constant 640 : i32
    %mul3A_8 = arith.muli %arg1, %mul3A_7 : i32
    %add3A_9 = arith.constant 0 : i32
    %add3A_10 = arith.addi %mul3A_8, %add3A_9 : i32
    "tpu.region"() ({
      %run_scoped3A = tpu.sem_alloc : memref<!tpu.dma_semaphore, #tpu.memory_space<semaphore_mem>>
      %dma_start3A_42 = arith.constant 0 : i32
      %dma_start3A_43 = tpu.memref_slice %arg12[%add3A_10, %dma_start3A_42] : memref<10240x64xf32, #tpu.memory_space<vmem_shared>> -> memref<128x64xf32, #tpu.memory_space<vmem_shared>>
      %dma_start3A_44 = arith.constant 0 : i32
      %dma_start3A_45 = tpu.memref_slice %arg12[%add3A_10, %dma_start3A_44] : memref<10240x64xf32, #tpu.memory_space<vmem_shared>> -> memref<128x64xf32, #tpu.memory_space<vmem_shared>>
      tpu.enqueue_dma source(%arg10 : memref<128x64xf32, #tpu.memory_space<vmem>>) target(%dma_start3A_45 : memref<128x64xf32, #tpu.memory_space<vmem_shared>>) target_semaphore(%run_scoped3A : memref<!tpu.dma_semaphore, #tpu.memory_space<semaphore_mem>>)
      %dma_wait3A = arith.constant 0 : i32
      %dma_wait3A_46 = tpu.memref_slice %arg12[%add3A_10, %dma_wait3A] : memref<10240x64xf32, #tpu.memory_space<vmem_shared>> -> memref<128x64xf32, #tpu.memory_space<vmem_shared>>
      %dma_wait3A_47 = arith.constant 0 : i32
      %dma_wait3A_48 = tpu.memref_slice %arg12[%add3A_10, %dma_wait3A_47] : memref<10240x64xf32, #tpu.memory_space<vmem_shared>> -> memref<128x64xf32, #tpu.memory_space<vmem_shared>>
      tpu.wait_dma2 semaphore(%run_scoped3A : memref<!tpu.dma_semaphore, #tpu.memory_space<semaphore_mem>>) src(%arg10 : memref<128x64xf32, #tpu.memory_space<vmem>>) dst(%dma_wait3A_48 : memref<128x64xf32, #tpu.memory_space<vmem_shared>>)
      tpu.yield
    }) : () -> ()
    %add3A_11 = arith.constant 128 : i32
    %add3A_12 = arith.addi %mul3A_8, %add3A_11 : i32
    "tpu.region"() ({
      %run_scoped3A = tpu.sem_alloc : memref<!tpu.dma_semaphore, #tpu.memory_space<semaphore_mem>>
      %dma_start3A_42 = arith.constant 0 : i32
      %dma_start3A_43 = tpu.memref_slice %arg12[%add3A_12, %dma_start3A_42] : memref<10240x64xf32, #tpu.memory_space<vmem_shared>> -> memref<128x64xf32, #tpu.memory_space<vmem_shared>>
      %dma_start3A_44 = arith.constant 0 : i32
      %dma_start3A_45 = tpu.memref_slice %arg12[%add3A_12, %dma_start3A_44] : memref<10240x64xf32, #tpu.memory_space<vmem_shared>> -> memref<128x64xf32, #tpu.memory_space<vmem_shared>>
      tpu.enqueue_dma source(%arg10 : memref<128x64xf32, #tpu.memory_space<vmem>>) target(%dma_start3A_45 : memref<128x64xf32, #tpu.memory_space<vmem_shared>>) target_semaphore(%run_scoped3A : memref<!tpu.dma_semaphore, #tpu.memory_space<semaphore_mem>>)
      %dma_wait3A = arith.constant 0 : i32
      %dma_wait3A_46 = tpu.memref_slice %arg12[%add3A_12, %dma_wait3A] : memref<10240x64xf32, #tpu.memory_space<vmem_shared>> -> memref<128x64xf32, #tpu.memory_space<vmem_shared>>
      %dma_wait3A_47 = arith.constant 0 : i32
      %dma_wait3A_48 = tpu.memref_slice %arg12[%add3A_12, %dma_wait3A_47] : memref<10240x64xf32, #tpu.memory_space<vmem_shared>> -> memref<128x64xf32, #tpu.memory_space<vmem_shared>>
      tpu.wait_dma2 semaphore(%run_scoped3A : memref<!tpu.dma_semaphore, #tpu.memory_space<semaphore_mem>>) src(%arg10 : memref<128x64xf32, #tpu.memory_space<vmem>>) dst(%dma_wait3A_48 : memref<128x64xf32, #tpu.memory_space<vmem_shared>>)
      tpu.yield
    }) : () -> ()
    %add3A_13 = arith.constant 256 : i32
    %add3A_14 = arith.addi %mul3A_8, %add3A_13 : i32
    "tpu.region"() ({
      %run_scoped3A = tpu.sem_alloc : memref<!tpu.dma_semaphore, #tpu.memory_space<semaphore_mem>>
      %dma_start3A_42 = arith.constant 0 : i32
      %dma_start3A_43 = tpu.memref_slice %arg12[%add3A_14, %dma_start3A_42] : memref<10240x64xf32, #tpu.memory_space<vmem_shared>> -> memref<128x64xf32, #tpu.memory_space<vmem_shared>>
      %dma_start3A_44 = arith.constant 0 : i32
      %dma_start3A_45 = tpu.memref_slice %arg12[%add3A_14, %dma_start3A_44] : memref<10240x64xf32, #tpu.memory_space<vmem_shared>> -> memref<128x64xf32, #tpu.memory_space<vmem_shared>>
      tpu.enqueue_dma source(%arg10 : memref<128x64xf32, #tpu.memory_space<vmem>>) target(%dma_start3A_45 : memref<128x64xf32, #tpu.memory_space<vmem_shared>>) target_semaphore(%run_scoped3A : memref<!tpu.dma_semaphore, #tpu.memory_space<semaphore_mem>>)
      %dma_wait3A = arith.constant 0 : i32
      %dma_wait3A_46 = tpu.memref_slice %arg12[%add3A_14, %dma_wait3A] : memref<10240x64xf32, #tpu.memory_space<vmem_shared>> -> memref<128x64xf32, #tpu.memory_space<vmem_shared>>
      %dma_wait3A_47 = arith.constant 0 : i32
      %dma_wait3A_48 = tpu.memref_slice %arg12[%add3A_14, %dma_wait3A_47] : memref<10240x64xf32, #tpu.memory_space<vmem_shared>> -> memref<128x64xf32, #tpu.memory_space<vmem_shared>>
      tpu.wait_dma2 semaphore(%run_scoped3A : memref<!tpu.dma_semaphore, #tpu.memory_space<semaphore_mem>>) src(%arg10 : memref<128x64xf32, #tpu.memory_space<vmem>>) dst(%dma_wait3A_48 : memref<128x64xf32, #tpu.memory_space<vmem_shared>>)
      tpu.yield
    }) : () -> ()
    %add3A_15 = arith.constant 384 : i32
    %add3A_16 = arith.addi %mul3A_8, %add3A_15 : i32
    "tpu.region"() ({
      %run_scoped3A = tpu.sem_alloc : memref<!tpu.dma_semaphore, #tpu.memory_space<semaphore_mem>>
      %dma_start3A_42 = arith.constant 0 : i32
      %dma_start3A_43 = tpu.memref_slice %arg12[%add3A_16, %dma_start3A_42] : memref<10240x64xf32, #tpu.memory_space<vmem_shared>> -> memref<128x64xf32, #tpu.memory_space<vmem_shared>>
      %dma_start3A_44 = arith.constant 0 : i32
      %dma_start3A_45 = tpu.memref_slice %arg12[%add3A_16, %dma_start3A_44] : memref<10240x64xf32, #tpu.memory_space<vmem_shared>> -> memref<128x64xf32, #tpu.memory_space<vmem_shared>>
      tpu.enqueue_dma source(%arg10 : memref<128x64xf32, #tpu.memory_space<vmem>>) target(%dma_start3A_45 : memref<128x64xf32, #tpu.memory_space<vmem_shared>>) target_semaphore(%run_scoped3A : memref<!tpu.dma_semaphore, #tpu.memory_space<semaphore_mem>>)
      %dma_wait3A = arith.constant 0 : i32
      %dma_wait3A_46 = tpu.memref_slice %arg12[%add3A_16, %dma_wait3A] : memref<10240x64xf32, #tpu.memory_space<vmem_shared>> -> memref<128x64xf32, #tpu.memory_space<vmem_shared>>
      %dma_wait3A_47 = arith.constant 0 : i32
      %dma_wait3A_48 = tpu.memref_slice %arg12[%add3A_16, %dma_wait3A_47] : memref<10240x64xf32, #tpu.memory_space<vmem_shared>> -> memref<128x64xf32, #tpu.memory_space<vmem_shared>>
      tpu.wait_dma2 semaphore(%run_scoped3A : memref<!tpu.dma_semaphore, #tpu.memory_space<semaphore_mem>>) src(%arg10 : memref<128x64xf32, #tpu.memory_space<vmem>>) dst(%dma_wait3A_48 : memref<128x64xf32, #tpu.memory_space<vmem_shared>>)
      tpu.yield
    }) : () -> ()
    %add3A_17 = arith.constant 512 : i32
    %add3A_18 = arith.addi %mul3A_8, %add3A_17 : i32
    "tpu.region"() ({
      %run_scoped3A = tpu.sem_alloc : memref<!tpu.dma_semaphore, #tpu.memory_space<semaphore_mem>>
      %dma_start3A_42 = arith.constant 0 : i32
      %dma_start3A_43 = tpu.memref_slice %arg12[%add3A_18, %dma_start3A_42] : memref<10240x64xf32, #tpu.memory_space<vmem_shared>> -> memref<128x64xf32, #tpu.memory_space<vmem_shared>>
      %dma_start3A_44 = arith.constant 0 : i32
      %dma_start3A_45 = tpu.memref_slice %arg12[%add3A_18, %dma_start3A_44] : memref<10240x64xf32, #tpu.memory_space<vmem_shared>> -> memref<128x64xf32, #tpu.memory_space<vmem_shared>>
      tpu.enqueue_dma source(%arg10 : memref<128x64xf32, #tpu.memory_space<vmem>>) target(%dma_start3A_45 : memref<128x64xf32, #tpu.memory_space<vmem_shared>>) target_semaphore(%run_scoped3A : memref<!tpu.dma_semaphore, #tpu.memory_space<semaphore_mem>>)
      %dma_wait3A = arith.constant 0 : i32
      %dma_wait3A_46 = tpu.memref_slice %arg12[%add3A_18, %dma_wait3A] : memref<10240x64xf32, #tpu.memory_space<vmem_shared>> -> memref<128x64xf32, #tpu.memory_space<vmem_shared>>
      %dma_wait3A_47 = arith.constant 0 : i32
      %dma_wait3A_48 = tpu.memref_slice %arg12[%add3A_18, %dma_wait3A_47] : memref<10240x64xf32, #tpu.memory_space<vmem_shared>> -> memref<128x64xf32, #tpu.memory_space<vmem_shared>>
      tpu.wait_dma2 semaphore(%run_scoped3A : memref<!tpu.dma_semaphore, #tpu.memory_space<semaphore_mem>>) src(%arg10 : memref<128x64xf32, #tpu.memory_space<vmem>>) dst(%dma_wait3A_48 : memref<128x64xf32, #tpu.memory_space<vmem_shared>>)
      tpu.yield
    }) : () -> ()
    "tpu.region"() ({
      %run_scoped3A = tpu.sem_alloc : memref<!tpu.dma_semaphore, #tpu.memory_space<semaphore_mem>>
      %dma_start3A_42 = arith.constant 0 : i32
      %dma_start3A_43 = arith.constant 0 : i32
      %dma_start3A_44 = tpu.memref_slice %arg3[%add3A, %dma_start3A_42, %dma_start3A_43] : memref<32x80x128xi32, #tpu.memory_space<hbm>> -> memref<1x80x128xi32, #tpu.memory_space<hbm>>
      %dma_start3A_45 = tpu.memref_squeeze %dma_start3A_44 : memref<1x80x128xi32, #tpu.memory_space<hbm>> -> memref<80x128xi32, #tpu.memory_space<hbm>>
      %dma_start3A_46 = arith.constant 0 : i32
      %dma_start3A_47 = arith.constant 0 : i32
      %dma_start3A_48 = tpu.memref_slice %arg3[%add3A, %dma_start3A_46, %dma_start3A_47] : memref<32x80x128xi32, #tpu.memory_space<hbm>> -> memref<1x80x128xi32, #tpu.memory_space<hbm>>
      %dma_start3A_49 = tpu.memref_squeeze %dma_start3A_48 : memref<1x80x128xi32, #tpu.memory_space<hbm>> -> memref<80x128xi32, #tpu.memory_space<hbm>>
      tpu.enqueue_dma source(%dma_start3A_49 : memref<80x128xi32, #tpu.memory_space<hbm>>) target(%arg5 : memref<80x128xi32, #tpu.memory_space<vmem>>) target_semaphore(%run_scoped3A : memref<!tpu.dma_semaphore, #tpu.memory_space<semaphore_mem>>)
      %dma_wait3A = arith.constant 0 : i32
      %dma_wait3A_50 = arith.constant 0 : i32
      %dma_wait3A_51 = tpu.memref_slice %arg3[%add3A, %dma_wait3A, %dma_wait3A_50] : memref<32x80x128xi32, #tpu.memory_space<hbm>> -> memref<1x80x128xi32, #tpu.memory_space<hbm>>
      %dma_wait3A_52 = tpu.memref_squeeze %dma_wait3A_51 : memref<1x80x128xi32, #tpu.memory_space<hbm>> -> memref<80x128xi32, #tpu.memory_space<hbm>>
      %dma_wait3A_53 = arith.constant 0 : i32
      %dma_wait3A_54 = arith.constant 0 : i32
      %dma_wait3A_55 = tpu.memref_slice %arg3[%add3A, %dma_wait3A_53, %dma_wait3A_54] : memref<32x80x128xi32, #tpu.memory_space<hbm>> -> memref<1x80x128xi32, #tpu.memory_space<hbm>>
      %dma_wait3A_56 = tpu.memref_squeeze %dma_wait3A_55 : memref<1x80x128xi32, #tpu.memory_space<hbm>> -> memref<80x128xi32, #tpu.memory_space<hbm>>
      tpu.wait_dma2 semaphore(%run_scoped3A : memref<!tpu.dma_semaphore, #tpu.memory_space<semaphore_mem>>) src(%dma_wait3A_56 : memref<80x128xi32, #tpu.memory_space<hbm>>) dst(%arg5 : memref<80x128xi32, #tpu.memory_space<vmem>>)
      tpu.yield
    }) : () -> ()
    %barrier3A = arith.constant 0 : index
    tpu.barrier barrier_id(%barrier3A)
    %scan3A_19 = arith.constant 16383 : i32
    %scan3A_20 = arith.constant 0 : i32
    %scan3A_21 = arith.constant 0 : i32
    %scan3A_22 = arith.constant 8 : i32
    %scan3A_23 = arith.addi %scan3A_21, %scan3A_22 : i32
    %scan3A_24 = arith.constant 1 : i32
    %scan3A_25 = scf.for %scan3A_42 = %scan3A_21 to %scan3A_23 step %scan3A_24 iter_args(%scan3A_43 = %scan3A_20) -> (i32)  : i32 {
      %mul3A_44 = arith.constant 16 : i32
      %mul3A_45 = arith.muli %scan3A_42, %mul3A_44 : i32
      %get3A = arith.constant 0 : i32
      %get3A_46 = arith.index_cast %get3A : i32 to index
      %get3A_47 = arith.index_cast %mul3A_45 : i32 to index
      %get3A_48 = tpu.vector_load %arg5[%get3A_46, %get3A_47] {strides = array<i32>} : memref<80x128xi32, #tpu.memory_space<vmem>>, vector<1x16xi32>,
      %get3A_49 = vector.shape_cast %get3A_48 : vector<1x16xi32> to vector<16xi32>
      %and3A = vector.broadcast %scan3A_19 : i32 to vector<16xi32>
      %and3A_50 = arith.andi %get3A_49, %and3A : vector<16xi32>
      %mul3A_51 = arith.constant 16 : i32
      %mul3A_52 = arith.muli %scan3A_42, %mul3A_51 : i32
      %swap3A = arith.index_cast %mul3A_52 : i32 to index
      %swap3A_53 = tpu.vector_load %arg6[%swap3A] {strides = array<i32>} : memref<128xi32, #tpu.memory_space<vmem>>, vector<16xi32>,
      %swap3A_54 = vector.shape_cast %swap3A_53 : vector<16xi32> to vector<16xi32>
      %swap3A_55 = vector.shape_cast %and3A_50 : vector<16xi32> to vector<16xi32>
      tpu.vector_store %arg6[%swap3A], %swap3A_55 {strides = array<i32>} : memref<128xi32, #tpu.memory_space<vmem>>, vector<16xi32>,
      %shift_right_logical3A = arith.constant 14 : i32
      %shift_right_logical3A_56 = vector.broadcast %shift_right_logical3A : i32 to vector<16xi32>
      %shift_right_logical3A_57 = arith.shrui %get3A_49, %shift_right_logical3A_56 : vector<16xi32>
      %mul3A_58 = arith.constant 16 : i32
      %mul3A_59 = arith.muli %scan3A_42, %mul3A_58 : i32
      %swap3A_60 = arith.index_cast %mul3A_59 : i32 to index
      %swap3A_61 = tpu.vector_load %arg8[%swap3A_60] {strides = array<i32>} : memref<128xi32, #tpu.memory_space<vmem>>, vector<16xi32>,
      %swap3A_62 = vector.shape_cast %swap3A_61 : vector<16xi32> to vector<16xi32>
      %swap3A_63 = vector.shape_cast %shift_right_logical3A_57 : vector<16xi32> to vector<16xi32>
      tpu.vector_store %arg8[%swap3A_60], %swap3A_63 {strides = array<i32>} : memref<128xi32, #tpu.memory_space<vmem>>, vector<16xi32>,
      %scan3A_64 = arith.constant 0 : i32
      scf.yield %scan3A_64 : i32
    }
    %scan3A_26 = arith.constant 8 : i32
    %dma_start3A = arith.constant 0 : i32
    %dma_start3A_27 = arith.constant 0 : i32
    %dma_start3A_28 = tpu.memref_slice %arg2[%dma_start3A, %dma_start3A_27] : memref<10000x64xf32, #tpu.memory_space<hbm>> -> memref<10000x64xf32, #tpu.memory_space<hbm>>
    tpu.enqueue_indirect_dma source(%dma_start3A_28 : memref<10000x64xf32, #tpu.memory_space<hbm>>) target(%arg10 : memref<128x64xf32, #tpu.memory_space<vmem>>) offsets(%arg6 : memref<128xi32, #tpu.memory_space<vmem>>) semaphore(%arg13 : memref<!tpu.dma_semaphore, #tpu.memory_space<semaphore_mem>>)
    %scan3A_29 = arith.constant 16383 : i32
    %scan3A_30 = arith.constant 0 : i32
    %scan3A_31 = arith.constant 0 : i32
    %scan3A_32 = arith.constant 40 : i32
    %scan3A_33 = arith.addi %scan3A_31, %scan3A_32 : i32
    %scan3A_34 = arith.constant 1 : i32
    %scan3A_35 = scf.for %scan3A_42 = %scan3A_31 to %scan3A_33 step %scan3A_34 iter_args(%scan3A_43 = %scan3A_30) -> (i32)  : i32 {
      %mul3A_44 = arith.constant 2 : i32
      %mul3A_45 = arith.muli %mul3A_44, %scan3A_42 : i32
      %add3A_46 = arith.constant 1 : i32
      %add3A_47 = arith.addi %mul3A_45, %add3A_46 : i32
      %scan3A_48 = arith.constant 0 : i32
      %scan3A_49 = arith.constant 0 : i32
      %scan3A_50 = arith.constant 8 : i32
      %scan3A_51 = arith.addi %scan3A_49, %scan3A_50 : i32
      %scan3A_52 = arith.constant 1 : i32
      %scan3A_53 = scf.for %scan3A_66 = %scan3A_49 to %scan3A_51 step %scan3A_52 iter_args(%scan3A_67 = %scan3A_48) -> (i32)  : i32 {
        %mul3A_68 = arith.constant 16 : i32
        %mul3A_69 = arith.muli %scan3A_66, %mul3A_68 : i32
        %get3A = arith.index_cast %add3A_47 : i32 to index
        %get3A_70 = arith.index_cast %mul3A_69 : i32 to index
        %get3A_71 = tpu.vector_load %arg5[%get3A, %get3A_70] {strides = array<i32>} : memref<80x128xi32, #tpu.memory_space<vmem>>, vector<1x16xi32>,
        %get3A_72 = vector.shape_cast %get3A_71 : vector<1x16xi32> to vector<16xi32>
        %and3A = vector.broadcast %scan3A_29 : i32 to vector<16xi32>
        %and3A_73 = arith.andi %get3A_72, %and3A : vector<16xi32>
        %mul3A_74 = arith.constant 16 : i32
        %mul3A_75 = arith.muli %scan3A_66, %mul3A_74 : i32
        %swap3A = arith.index_cast %mul3A_75 : i32 to index
        %swap3A_76 = tpu.vector_load %arg7[%swap3A] {strides = array<i32>} : memref<128xi32, #tpu.memory_space<vmem>>, vector<16xi32>,
        %swap3A_77 = vector.shape_cast %swap3A_76 : vector<16xi32> to vector<16xi32>
        %swap3A_78 = vector.shape_cast %and3A_73 : vector<16xi32> to vector<16xi32>
        tpu.vector_store %arg7[%swap3A], %swap3A_78 {strides = array<i32>} : memref<128xi32, #tpu.memory_space<vmem>>, vector<16xi32>,
        %shift_right_logical3A = arith.constant 14 : i32
        %shift_right_logical3A_79 = vector.broadcast %shift_right_logical3A : i32 to vector<16xi32>
        %shift_right_logical3A_80 = arith.shrui %get3A_72, %shift_right_logical3A_79 : vector<16xi32>
        %mul3A_81 = arith.constant 16 : i32
        %mul3A_82 = arith.muli %scan3A_66, %mul3A_81 : i32
        %swap3A_83 = arith.index_cast %mul3A_82 : i32 to index
        %swap3A_84 = tpu.vector_load %arg9[%swap3A_83] {strides = array<i32>} : memref<128xi32, #tpu.memory_space<vmem>>, vector<16xi32>,
        %swap3A_85 = vector.shape_cast %swap3A_84 : vector<16xi32> to vector<16xi32>
        %swap3A_86 = vector.shape_cast %shift_right_logical3A_80 : vector<16xi32> to vector<16xi32>
        tpu.vector_store %arg9[%swap3A_83], %swap3A_86 {strides = array<i32>} : memref<128xi32, #tpu.memory_space<vmem>>, vector<16xi32>,
        %scan3A_87 = arith.constant 0 : i32
        scf.yield %scan3A_87 : i32
      }
      %scan3A_54 = arith.constant 8 : i32
      %dma_start3A_55 = arith.constant 0 : i32
      %dma_start3A_56 = arith.constant 0 : i32
      %dma_start3A_57 = tpu.memref_slice %arg2[%dma_start3A_55, %dma_start3A_56] : memref<10000x64xf32, #tpu.memory_space<hbm>> -> memref<10000x64xf32, #tpu.memory_space<hbm>>
      tpu.enqueue_indirect_dma source(%dma_start3A_57 : memref<10000x64xf32, #tpu.memory_space<hbm>>) target(%arg11 : memref<128x64xf32, #tpu.memory_space<vmem>>) offsets(%arg7 : memref<128xi32, #tpu.memory_space<vmem>>) semaphore(%arg14 : memref<!tpu.dma_semaphore, #tpu.memory_space<semaphore_mem>>)
      %dma_wait3A = arith.constant 0 : i32
      %dma_wait3A_58 = arith.constant 0 : i32
      %dma_wait3A_59 = tpu.memref_slice %arg2[%dma_wait3A, %dma_wait3A_58] : memref<10000x64xf32, #tpu.memory_space<hbm>> -> memref<10000x64xf32, #tpu.memory_space<hbm>>
      tpu.wait_indirect_dma semaphore(%arg13 : memref<!tpu.dma_semaphore, #tpu.memory_space<semaphore_mem>>) src(%dma_wait3A_59 : memref<10000x64xf32, #tpu.memory_space<hbm>>) dst(%arg10 : memref<128x64xf32, #tpu.memory_space<vmem>>)
      "tpu.region"() ({
        %run_scoped3A = tpu.sem_alloc : memref<!tpu.dma_semaphore, #tpu.memory_space<semaphore_mem>>
        %dma_start3A_66 = arith.constant 0 : i32
        %dma_start3A_67 = arith.constant 0 : i32
        %dma_start3A_68 = tpu.memref_slice %arg12[%dma_start3A_66, %dma_start3A_67] : memref<10240x64xf32, #tpu.memory_space<vmem_shared>> -> memref<10240x64xf32, #tpu.memory_space<vmem_shared>>
        tpu.enqueue_indirect_dma source(%arg10 : memref<128x64xf32, #tpu.memory_space<vmem>>) target(%dma_start3A_68 : memref<10240x64xf32, #tpu.memory_space<vmem_shared>>) offsets(%arg8 : memref<128xi32, #tpu.memory_space<vmem>>) semaphore(%run_scoped3A : memref<!tpu.dma_semaphore, #tpu.memory_space<semaphore_mem>>) {add = true}
        %dma_wait3A_69 = arith.constant 0 : i32
        %dma_wait3A_70 = arith.constant 0 : i32
        %dma_wait3A_71 = tpu.memref_slice %arg12[%dma_wait3A_69, %dma_wait3A_70] : memref<10240x64xf32, #tpu.memory_space<vmem_shared>> -> memref<10240x64xf32, #tpu.memory_space<vmem_shared>>
        tpu.wait_indirect_dma semaphore(%run_scoped3A : memref<!tpu.dma_semaphore, #tpu.memory_space<semaphore_mem>>) src(%arg10 : memref<128x64xf32, #tpu.memory_space<vmem>>) dst(%dma_wait3A_71 : memref<10240x64xf32, #tpu.memory_space<vmem_shared>>)
        tpu.yield
      }) : () -> ()
      %lt3A = arith.constant 39 : i32
      %lt3A_60 = arith.cmpi slt, %scan3A_42, %lt3A : i32
      %convert_element_type3A = arith.extui %lt3A_60 : i1 to i32
      %cond3A = arith.constant 0 : i32
      %cond3A_61 = arith.cmpi ne, %convert_element_type3A, %cond3A : i32
      scf.if %cond3A_61 {
        %add3A_66 = arith.constant 2 : i32
        %add3A_67 = arith.addi %mul3A_45, %add3A_66 : i32
        %scan3A_68 = arith.constant 0 : i32
        %scan3A_69 = arith.constant 0 : i32
        %scan3A_70 = arith.constant 8 : i32
        %scan3A_71 = arith.addi %scan3A_69, %scan3A_70 : i32
        %scan3A_72 = arith.constant 1 : i32
        %scan3A_73 = scf.for %scan3A_78 = %scan3A_69 to %scan3A_71 step %scan3A_72 iter_args(%scan3A_79 = %scan3A_68) -> (i32)  : i32 {
          %mul3A_80 = arith.constant 16 : i32
          %mul3A_81 = arith.muli %scan3A_78, %mul3A_80 : i32
          %get3A = arith.index_cast %add3A_67 : i32 to index
          %get3A_82 = arith.index_cast %mul3A_81 : i32 to index
          %get3A_83 = tpu.vector_load %arg5[%get3A, %get3A_82] {strides = array<i32>} : memref<80x128xi32, #tpu.memory_space<vmem>>, vector<1x16xi32>,
          %get3A_84 = vector.shape_cast %get3A_83 : vector<1x16xi32> to vector<16xi32>
          %and3A = vector.broadcast %scan3A_29 : i32 to vector<16xi32>
          %and3A_85 = arith.andi %get3A_84, %and3A : vector<16xi32>
          %mul3A_86 = arith.constant 16 : i32
          %mul3A_87 = arith.muli %scan3A_78, %mul3A_86 : i32
          %swap3A = arith.index_cast %mul3A_87 : i32 to index
          %swap3A_88 = tpu.vector_load %arg6[%swap3A] {strides = array<i32>} : memref<128xi32, #tpu.memory_space<vmem>>, vector<16xi32>,
          %swap3A_89 = vector.shape_cast %swap3A_88 : vector<16xi32> to vector<16xi32>
          %swap3A_90 = vector.shape_cast %and3A_85 : vector<16xi32> to vector<16xi32>
          tpu.vector_store %arg6[%swap3A], %swap3A_90 {strides = array<i32>} : memref<128xi32, #tpu.memory_space<vmem>>, vector<16xi32>,
          %shift_right_logical3A = arith.constant 14 : i32
          %shift_right_logical3A_91 = vector.broadcast %shift_right_logical3A : i32 to vector<16xi32>
          %shift_right_logical3A_92 = arith.shrui %get3A_84, %shift_right_logical3A_91 : vector<16xi32>
          %mul3A_93 = arith.constant 16 : i32
          %mul3A_94 = arith.muli %scan3A_78, %mul3A_93 : i32
          %swap3A_95 = arith.index_cast %mul3A_94 : i32 to index
          %swap3A_96 = tpu.vector_load %arg8[%swap3A_95] {strides = array<i32>} : memref<128xi32, #tpu.memory_space<vmem>>, vector<16xi32>,
          %swap3A_97 = vector.shape_cast %swap3A_96 : vector<16xi32> to vector<16xi32>
          %swap3A_98 = vector.shape_cast %shift_right_logical3A_92 : vector<16xi32> to vector<16xi32>
          tpu.vector_store %arg8[%swap3A_95], %swap3A_98 {strides = array<i32>} : memref<128xi32, #tpu.memory_space<vmem>>, vector<16xi32>,
          %scan3A_99 = arith.constant 0 : i32
          scf.yield %scan3A_99 : i32
        }
        %scan3A_74 = arith.constant 8 : i32
        %dma_start3A_75 = arith.constant 0 : i32
        %dma_start3A_76 = arith.constant 0 : i32
        %dma_start3A_77 = tpu.memref_slice %arg2[%dma_start3A_75, %dma_start3A_76] : memref<10000x64xf32, #tpu.memory_space<hbm>> -> memref<10000x64xf32, #tpu.memory_space<hbm>>
        tpu.enqueue_indirect_dma source(%dma_start3A_77 : memref<10000x64xf32, #tpu.memory_space<hbm>>) target(%arg10 : memref<128x64xf32, #tpu.memory_space<vmem>>) offsets(%arg6 : memref<128xi32, #tpu.memory_space<vmem>>) semaphore(%arg13 : memref<!tpu.dma_semaphore, #tpu.memory_space<semaphore_mem>>)
      } else {
      }
      %dma_wait3A_62 = arith.constant 0 : i32
      %dma_wait3A_63 = arith.constant 0 : i32
      %dma_wait3A_64 = tpu.memref_slice %arg2[%dma_wait3A_62, %dma_wait3A_63] : memref<10000x64xf32, #tpu.memory_space<hbm>> -> memref<10000x64xf32, #tpu.memory_space<hbm>>
      tpu.wait_indirect_dma semaphore(%arg14 : memref<!tpu.dma_semaphore, #tpu.memory_space<semaphore_mem>>) src(%dma_wait3A_64 : memref<10000x64xf32, #tpu.memory_space<hbm>>) dst(%arg11 : memref<128x64xf32, #tpu.memory_space<vmem>>)
      "tpu.region"() ({
        %run_scoped3A = tpu.sem_alloc : memref<!tpu.dma_semaphore, #tpu.memory_space<semaphore_mem>>
        %dma_start3A_66 = arith.constant 0 : i32
        %dma_start3A_67 = arith.constant 0 : i32
        %dma_start3A_68 = tpu.memref_slice %arg12[%dma_start3A_66, %dma_start3A_67] : memref<10240x64xf32, #tpu.memory_space<vmem_shared>> -> memref<10240x64xf32, #tpu.memory_space<vmem_shared>>
        tpu.enqueue_indirect_dma source(%arg11 : memref<128x64xf32, #tpu.memory_space<vmem>>) target(%dma_start3A_68 : memref<10240x64xf32, #tpu.memory_space<vmem_shared>>) offsets(%arg9 : memref<128xi32, #tpu.memory_space<vmem>>) semaphore(%run_scoped3A : memref<!tpu.dma_semaphore, #tpu.memory_space<semaphore_mem>>) {add = true}
        %dma_wait3A_69 = arith.constant 0 : i32
        %dma_wait3A_70 = arith.constant 0 : i32
        %dma_wait3A_71 = tpu.memref_slice %arg12[%dma_wait3A_69, %dma_wait3A_70] : memref<10240x64xf32, #tpu.memory_space<vmem_shared>> -> memref<10240x64xf32, #tpu.memory_space<vmem_shared>>
        tpu.wait_indirect_dma semaphore(%run_scoped3A : memref<!tpu.dma_semaphore, #tpu.memory_space<semaphore_mem>>) src(%arg11 : memref<128x64xf32, #tpu.memory_space<vmem>>) dst(%dma_wait3A_71 : memref<10240x64xf32, #tpu.memory_space<vmem_shared>>)
        tpu.yield
      }) : () -> ()
      %scan3A_65 = arith.constant 0 : i32
      scf.yield %scan3A_65 : i32
    }
    %scan3A_36 = arith.constant 40 : i32
    %barrier3A_37 = arith.constant 0 : index
    tpu.barrier barrier_id(%barrier3A_37)
    %mul3A_38 = arith.constant 640 : i32
    %mul3A_39 = arith.muli %arg1, %mul3A_38 : i32
    %mul3A_40 = arith.constant 640 : i32
    %mul3A_41 = arith.muli %arg1, %mul3A_40 : i32
    "tpu.region"() ({
      %run_scoped3A = tpu.sem_alloc : memref<!tpu.dma_semaphore, #tpu.memory_space<semaphore_mem>>
      %dma_start3A_42 = arith.constant 0 : i32
      %dma_start3A_43 = tpu.memref_slice %arg4[%arg0, %mul3A_41, %dma_start3A_42] : memref<2x10240x64xf32, #tpu.memory_space<hbm>> -> memref<1x640x64xf32, #tpu.memory_space<hbm>>
      %dma_start3A_44 = tpu.memref_squeeze %dma_start3A_43 : memref<1x640x64xf32, #tpu.memory_space<hbm>> -> memref<640x64xf32, #tpu.memory_space<hbm>>
      %dma_start3A_45 = arith.constant 0 : i32
      %dma_start3A_46 = tpu.memref_slice %arg12[%mul3A_39, %dma_start3A_45] : memref<10240x64xf32, #tpu.memory_space<vmem_shared>> -> memref<640x64xf32, #tpu.memory_space<vmem_shared>>
      tpu.enqueue_dma source(%dma_start3A_46 : memref<640x64xf32, #tpu.memory_space<vmem_shared>>) target(%dma_start3A_44 : memref<640x64xf32, #tpu.memory_space<hbm>>) target_semaphore(%run_scoped3A : memref<!tpu.dma_semaphore, #tpu.memory_space<semaphore_mem>>)
      %dma_wait3A = arith.constant 0 : i32
      %dma_wait3A_47 = tpu.memref_slice %arg4[%arg0, %mul3A_41, %dma_wait3A] : memref<2x10240x64xf32, #tpu.memory_space<hbm>> -> memref<1x640x64xf32, #tpu.memory_space<hbm>>
      %dma_wait3A_48 = tpu.memref_squeeze %dma_wait3A_47 : memref<1x640x64xf32, #tpu.memory_space<hbm>> -> memref<640x64xf32, #tpu.memory_space<hbm>>
      %dma_wait3A_49 = arith.constant 0 : i32
      %dma_wait3A_50 = tpu.memref_slice %arg12[%mul3A_39, %dma_wait3A_49] : memref<10240x64xf32, #tpu.memory_space<vmem_shared>> -> memref<640x64xf32, #tpu.memory_space<vmem_shared>>
      tpu.wait_dma2 semaphore(%run_scoped3A : memref<!tpu.dma_semaphore, #tpu.memory_space<semaphore_mem>>) src(%dma_wait3A_50 : memref<640x64xf32, #tpu.memory_space<vmem_shared>>) dst(%dma_wait3A_48 : memref<640x64xf32, #tpu.memory_space<hbm>>)
      tpu.yield
    }) : () -> ()
    return
  }
}

#map = affine_map<(d0, d1) -> (0, 0, 0)>
module attributes {stable_mosaic.version = 14 : i64} {
  func.func @_sc_deg(%arg0: i32, %arg1: i32, %arg2: memref<32x80x128xi32, #tpu.memory_space<hbm>>, %arg3: memref<2x10240x16xf32, #tpu.memory_space<hbm>>, %arg4: memref<80x128xi32, #tpu.memory_space<vmem>>, %arg5: memref<128x16xf32, #tpu.memory_space<vmem>>, %arg6: memref<10240x16xf32, #tpu.memory_space<vmem_shared>>) attributes {dimension_semantics = [#tpu.dimension_semantics<core_parallel>, #tpu.dimension_semantics<subcore_parallel>], iteration_bounds = array<i64: 2, 16>, scalar_prefetch = 0 : i64, scratch_operands = 3 : i64, tpu.core_type = #tpu.core_type<sc_vector_subcore>, window_params = [{transform_indices = #map}, {transform_indices = #map}]} {
    %mul3A = arith.constant 2 : i32
    %mul3A_0 = arith.muli %arg1, %mul3A : i32
    %add3A = arith.addi %mul3A_0, %arg0 : i32
    %scan3A = arith.constant 0 : i32
    %scan3A_1 = arith.constant 0 : i32
    %scan3A_2 = arith.constant 128 : i32
    %scan3A_3 = arith.addi %scan3A_1, %scan3A_2 : i32
    %scan3A_4 = arith.constant 1 : i32
    %scan3A_5 = scf.for %scan3A_38 = %scan3A_1 to %scan3A_3 step %scan3A_4 iter_args(%scan3A_39 = %scan3A) -> (i32)  : i32 {
      %broadcast_in_dim3A = arith.constant 0.000000e+00 : f32
      %broadcast_in_dim3A_40 = vector.broadcast %broadcast_in_dim3A : f32 to vector<16xf32>
      %swap3A = arith.index_cast %scan3A_38 : i32 to index
      %swap3A_41 = arith.constant 0 : index
      %swap3A_42 = tpu.vector_load %arg5[%swap3A, %swap3A_41] {strides = array<i32>} : memref<128x16xf32, #tpu.memory_space<vmem>>, vector<1x16xf32>,
      %swap3A_43 = vector.shape_cast %swap3A_42 : vector<1x16xf32> to vector<16xf32>
      %swap3A_44 = vector.shape_cast %broadcast_in_dim3A_40 : vector<16xf32> to vector<1x16xf32>
      tpu.vector_store %arg5[%swap3A, %swap3A_41], %swap3A_44 {strides = array<i32>} : memref<128x16xf32, #tpu.memory_space<vmem>>, vector<1x16xf32>,
      %scan3A_45 = arith.constant 0 : i32
      scf.yield %scan3A_45 : i32
    }
    %scan3A_6 = arith.constant 128 : i32
    %mul3A_7 = arith.constant 640 : i32
    %mul3A_8 = arith.muli %arg1, %mul3A_7 : i32
    %add3A_9 = arith.constant 0 : i32
    %add3A_10 = arith.addi %mul3A_8, %add3A_9 : i32
    "tpu.region"() ({
      %run_scoped3A = tpu.sem_alloc : memref<!tpu.dma_semaphore, #tpu.memory_space<semaphore_mem>>
      %dma_start3A = arith.constant 0 : i32
      %dma_start3A_38 = tpu.memref_slice %arg6[%add3A_10, %dma_start3A] : memref<10240x16xf32, #tpu.memory_space<vmem_shared>> -> memref<128x16xf32, #tpu.memory_space<vmem_shared>>
      %dma_start3A_39 = arith.constant 0 : i32
      %dma_start3A_40 = tpu.memref_slice %arg6[%add3A_10, %dma_start3A_39] : memref<10240x16xf32, #tpu.memory_space<vmem_shared>> -> memref<128x16xf32, #tpu.memory_space<vmem_shared>>
      tpu.enqueue_dma source(%arg5 : memref<128x16xf32, #tpu.memory_space<vmem>>) target(%dma_start3A_40 : memref<128x16xf32, #tpu.memory_space<vmem_shared>>) target_semaphore(%run_scoped3A : memref<!tpu.dma_semaphore, #tpu.memory_space<semaphore_mem>>)
      %dma_wait3A = arith.constant 0 : i32
      %dma_wait3A_41 = tpu.memref_slice %arg6[%add3A_10, %dma_wait3A] : memref<10240x16xf32, #tpu.memory_space<vmem_shared>> -> memref<128x16xf32, #tpu.memory_space<vmem_shared>>
      %dma_wait3A_42 = arith.constant 0 : i32
      %dma_wait3A_43 = tpu.memref_slice %arg6[%add3A_10, %dma_wait3A_42] : memref<10240x16xf32, #tpu.memory_space<vmem_shared>> -> memref<128x16xf32, #tpu.memory_space<vmem_shared>>
      tpu.wait_dma2 semaphore(%run_scoped3A : memref<!tpu.dma_semaphore, #tpu.memory_space<semaphore_mem>>) src(%arg5 : memref<128x16xf32, #tpu.memory_space<vmem>>) dst(%dma_wait3A_43 : memref<128x16xf32, #tpu.memory_space<vmem_shared>>)
      tpu.yield
    }) : () -> ()
    %add3A_11 = arith.constant 128 : i32
    %add3A_12 = arith.addi %mul3A_8, %add3A_11 : i32
    "tpu.region"() ({
      %run_scoped3A = tpu.sem_alloc : memref<!tpu.dma_semaphore, #tpu.memory_space<semaphore_mem>>
      %dma_start3A = arith.constant 0 : i32
      %dma_start3A_38 = tpu.memref_slice %arg6[%add3A_12, %dma_start3A] : memref<10240x16xf32, #tpu.memory_space<vmem_shared>> -> memref<128x16xf32, #tpu.memory_space<vmem_shared>>
      %dma_start3A_39 = arith.constant 0 : i32
      %dma_start3A_40 = tpu.memref_slice %arg6[%add3A_12, %dma_start3A_39] : memref<10240x16xf32, #tpu.memory_space<vmem_shared>> -> memref<128x16xf32, #tpu.memory_space<vmem_shared>>
      tpu.enqueue_dma source(%arg5 : memref<128x16xf32, #tpu.memory_space<vmem>>) target(%dma_start3A_40 : memref<128x16xf32, #tpu.memory_space<vmem_shared>>) target_semaphore(%run_scoped3A : memref<!tpu.dma_semaphore, #tpu.memory_space<semaphore_mem>>)
      %dma_wait3A = arith.constant 0 : i32
      %dma_wait3A_41 = tpu.memref_slice %arg6[%add3A_12, %dma_wait3A] : memref<10240x16xf32, #tpu.memory_space<vmem_shared>> -> memref<128x16xf32, #tpu.memory_space<vmem_shared>>
      %dma_wait3A_42 = arith.constant 0 : i32
      %dma_wait3A_43 = tpu.memref_slice %arg6[%add3A_12, %dma_wait3A_42] : memref<10240x16xf32, #tpu.memory_space<vmem_shared>> -> memref<128x16xf32, #tpu.memory_space<vmem_shared>>
      tpu.wait_dma2 semaphore(%run_scoped3A : memref<!tpu.dma_semaphore, #tpu.memory_space<semaphore_mem>>) src(%arg5 : memref<128x16xf32, #tpu.memory_space<vmem>>) dst(%dma_wait3A_43 : memref<128x16xf32, #tpu.memory_space<vmem_shared>>)
      tpu.yield
    }) : () -> ()
    %add3A_13 = arith.constant 256 : i32
    %add3A_14 = arith.addi %mul3A_8, %add3A_13 : i32
    "tpu.region"() ({
      %run_scoped3A = tpu.sem_alloc : memref<!tpu.dma_semaphore, #tpu.memory_space<semaphore_mem>>
      %dma_start3A = arith.constant 0 : i32
      %dma_start3A_38 = tpu.memref_slice %arg6[%add3A_14, %dma_start3A] : memref<10240x16xf32, #tpu.memory_space<vmem_shared>> -> memref<128x16xf32, #tpu.memory_space<vmem_shared>>
      %dma_start3A_39 = arith.constant 0 : i32
      %dma_start3A_40 = tpu.memref_slice %arg6[%add3A_14, %dma_start3A_39] : memref<10240x16xf32, #tpu.memory_space<vmem_shared>> -> memref<128x16xf32, #tpu.memory_space<vmem_shared>>
      tpu.enqueue_dma source(%arg5 : memref<128x16xf32, #tpu.memory_space<vmem>>) target(%dma_start3A_40 : memref<128x16xf32, #tpu.memory_space<vmem_shared>>) target_semaphore(%run_scoped3A : memref<!tpu.dma_semaphore, #tpu.memory_space<semaphore_mem>>)
      %dma_wait3A = arith.constant 0 : i32
      %dma_wait3A_41 = tpu.memref_slice %arg6[%add3A_14, %dma_wait3A] : memref<10240x16xf32, #tpu.memory_space<vmem_shared>> -> memref<128x16xf32, #tpu.memory_space<vmem_shared>>
      %dma_wait3A_42 = arith.constant 0 : i32
      %dma_wait3A_43 = tpu.memref_slice %arg6[%add3A_14, %dma_wait3A_42] : memref<10240x16xf32, #tpu.memory_space<vmem_shared>> -> memref<128x16xf32, #tpu.memory_space<vmem_shared>>
      tpu.wait_dma2 semaphore(%run_scoped3A : memref<!tpu.dma_semaphore, #tpu.memory_space<semaphore_mem>>) src(%arg5 : memref<128x16xf32, #tpu.memory_space<vmem>>) dst(%dma_wait3A_43 : memref<128x16xf32, #tpu.memory_space<vmem_shared>>)
      tpu.yield
    }) : () -> ()
    %add3A_15 = arith.constant 384 : i32
    %add3A_16 = arith.addi %mul3A_8, %add3A_15 : i32
    "tpu.region"() ({
      %run_scoped3A = tpu.sem_alloc : memref<!tpu.dma_semaphore, #tpu.memory_space<semaphore_mem>>
      %dma_start3A = arith.constant 0 : i32
      %dma_start3A_38 = tpu.memref_slice %arg6[%add3A_16, %dma_start3A] : memref<10240x16xf32, #tpu.memory_space<vmem_shared>> -> memref<128x16xf32, #tpu.memory_space<vmem_shared>>
      %dma_start3A_39 = arith.constant 0 : i32
      %dma_start3A_40 = tpu.memref_slice %arg6[%add3A_16, %dma_start3A_39] : memref<10240x16xf32, #tpu.memory_space<vmem_shared>> -> memref<128x16xf32, #tpu.memory_space<vmem_shared>>
      tpu.enqueue_dma source(%arg5 : memref<128x16xf32, #tpu.memory_space<vmem>>) target(%dma_start3A_40 : memref<128x16xf32, #tpu.memory_space<vmem_shared>>) target_semaphore(%run_scoped3A : memref<!tpu.dma_semaphore, #tpu.memory_space<semaphore_mem>>)
      %dma_wait3A = arith.constant 0 : i32
      %dma_wait3A_41 = tpu.memref_slice %arg6[%add3A_16, %dma_wait3A] : memref<10240x16xf32, #tpu.memory_space<vmem_shared>> -> memref<128x16xf32, #tpu.memory_space<vmem_shared>>
      %dma_wait3A_42 = arith.constant 0 : i32
      %dma_wait3A_43 = tpu.memref_slice %arg6[%add3A_16, %dma_wait3A_42] : memref<10240x16xf32, #tpu.memory_space<vmem_shared>> -> memref<128x16xf32, #tpu.memory_space<vmem_shared>>
      tpu.wait_dma2 semaphore(%run_scoped3A : memref<!tpu.dma_semaphore, #tpu.memory_space<semaphore_mem>>) src(%arg5 : memref<128x16xf32, #tpu.memory_space<vmem>>) dst(%dma_wait3A_43 : memref<128x16xf32, #tpu.memory_space<vmem_shared>>)
      tpu.yield
    }) : () -> ()
    %add3A_17 = arith.constant 512 : i32
    %add3A_18 = arith.addi %mul3A_8, %add3A_17 : i32
    "tpu.region"() ({
      %run_scoped3A = tpu.sem_alloc : memref<!tpu.dma_semaphore, #tpu.memory_space<semaphore_mem>>
      %dma_start3A = arith.constant 0 : i32
      %dma_start3A_38 = tpu.memref_slice %arg6[%add3A_18, %dma_start3A] : memref<10240x16xf32, #tpu.memory_space<vmem_shared>> -> memref<128x16xf32, #tpu.memory_space<vmem_shared>>
      %dma_start3A_39 = arith.constant 0 : i32
      %dma_start3A_40 = tpu.memref_slice %arg6[%add3A_18, %dma_start3A_39] : memref<10240x16xf32, #tpu.memory_space<vmem_shared>> -> memref<128x16xf32, #tpu.memory_space<vmem_shared>>
      tpu.enqueue_dma source(%arg5 : memref<128x16xf32, #tpu.memory_space<vmem>>) target(%dma_start3A_40 : memref<128x16xf32, #tpu.memory_space<vmem_shared>>) target_semaphore(%run_scoped3A : memref<!tpu.dma_semaphore, #tpu.memory_space<semaphore_mem>>)
      %dma_wait3A = arith.constant 0 : i32
      %dma_wait3A_41 = tpu.memref_slice %arg6[%add3A_18, %dma_wait3A] : memref<10240x16xf32, #tpu.memory_space<vmem_shared>> -> memref<128x16xf32, #tpu.memory_space<vmem_shared>>
      %dma_wait3A_42 = arith.constant 0 : i32
      %dma_wait3A_43 = tpu.memref_slice %arg6[%add3A_18, %dma_wait3A_42] : memref<10240x16xf32, #tpu.memory_space<vmem_shared>> -> memref<128x16xf32, #tpu.memory_space<vmem_shared>>
      tpu.wait_dma2 semaphore(%run_scoped3A : memref<!tpu.dma_semaphore, #tpu.memory_space<semaphore_mem>>) src(%arg5 : memref<128x16xf32, #tpu.memory_space<vmem>>) dst(%dma_wait3A_43 : memref<128x16xf32, #tpu.memory_space<vmem_shared>>)
      tpu.yield
    }) : () -> ()
    %scan3A_19 = arith.constant 0 : i32
    %scan3A_20 = arith.constant 0 : i32
    %scan3A_21 = arith.constant 128 : i32
    %scan3A_22 = arith.addi %scan3A_20, %scan3A_21 : i32
    %scan3A_23 = arith.constant 1 : i32
    %scan3A_24 = scf.for %scan3A_38 = %scan3A_20 to %scan3A_22 step %scan3A_23 iter_args(%scan3A_39 = %scan3A_19) -> (i32)  : i32 {
      %broadcast_in_dim3A = arith.constant 1.000000e+00 : f32
      %broadcast_in_dim3A_40 = vector.broadcast %broadcast_in_dim3A : f32 to vector<16xf32>
      %swap3A = arith.index_cast %scan3A_38 : i32 to index
      %swap3A_41 = arith.constant 0 : index
      %swap3A_42 = tpu.vector_load %arg5[%swap3A, %swap3A_41] {strides = array<i32>} : memref<128x16xf32, #tpu.memory_space<vmem>>, vector<1x16xf32>,
      %swap3A_43 = vector.shape_cast %swap3A_42 : vector<1x16xf32> to vector<16xf32>
      %swap3A_44 = vector.shape_cast %broadcast_in_dim3A_40 : vector<16xf32> to vector<1x16xf32>
      tpu.vector_store %arg5[%swap3A, %swap3A_41], %swap3A_44 {strides = array<i32>} : memref<128x16xf32, #tpu.memory_space<vmem>>, vector<1x16xf32>,
      %scan3A_45 = arith.constant 0 : i32
      scf.yield %scan3A_45 : i32
    }
    %scan3A_25 = arith.constant 128 : i32
    "tpu.region"() ({
      %run_scoped3A = tpu.sem_alloc : memref<!tpu.dma_semaphore, #tpu.memory_space<semaphore_mem>>
      %dma_start3A = arith.constant 0 : i32
      %dma_start3A_38 = arith.constant 0 : i32
      %dma_start3A_39 = tpu.memref_slice %arg2[%add3A, %dma_start3A, %dma_start3A_38] : memref<32x80x128xi32, #tpu.memory_space<hbm>> -> memref<1x80x128xi32, #tpu.memory_space<hbm>>
      %dma_start3A_40 = tpu.memref_squeeze %dma_start3A_39 : memref<1x80x128xi32, #tpu.memory_space<hbm>> -> memref<80x128xi32, #tpu.memory_space<hbm>>
      %dma_start3A_41 = arith.constant 0 : i32
      %dma_start3A_42 = arith.constant 0 : i32
      %dma_start3A_43 = tpu.memref_slice %arg2[%add3A, %dma_start3A_41, %dma_start3A_42] : memref<32x80x128xi32, #tpu.memory_space<hbm>> -> memref<1x80x128xi32, #tpu.memory_space<hbm>>
      %dma_start3A_44 = tpu.memref_squeeze %dma_start3A_43 : memref<1x80x128xi32, #tpu.memory_space<hbm>> -> memref<80x128xi32, #tpu.memory_space<hbm>>
      tpu.enqueue_dma source(%dma_start3A_44 : memref<80x128xi32, #tpu.memory_space<hbm>>) target(%arg4 : memref<80x128xi32, #tpu.memory_space<vmem>>) target_semaphore(%run_scoped3A : memref<!tpu.dma_semaphore, #tpu.memory_space<semaphore_mem>>)
      %dma_wait3A = arith.constant 0 : i32
      %dma_wait3A_45 = arith.constant 0 : i32
      %dma_wait3A_46 = tpu.memref_slice %arg2[%add3A, %dma_wait3A, %dma_wait3A_45] : memref<32x80x128xi32, #tpu.memory_space<hbm>> -> memref<1x80x128xi32, #tpu.memory_space<hbm>>
      %dma_wait3A_47 = tpu.memref_squeeze %dma_wait3A_46 : memref<1x80x128xi32, #tpu.memory_space<hbm>> -> memref<80x128xi32, #tpu.memory_space<hbm>>
      %dma_wait3A_48 = arith.constant 0 : i32
      %dma_wait3A_49 = arith.constant 0 : i32
      %dma_wait3A_50 = tpu.memref_slice %arg2[%add3A, %dma_wait3A_48, %dma_wait3A_49] : memref<32x80x128xi32, #tpu.memory_space<hbm>> -> memref<1x80x128xi32, #tpu.memory_space<hbm>>
      %dma_wait3A_51 = tpu.memref_squeeze %dma_wait3A_50 : memref<1x80x128xi32, #tpu.memory_space<hbm>> -> memref<80x128xi32, #tpu.memory_space<hbm>>
      tpu.wait_dma2 semaphore(%run_scoped3A : memref<!tpu.dma_semaphore, #tpu.memory_space<semaphore_mem>>) src(%dma_wait3A_51 : memref<80x128xi32, #tpu.memory_space<hbm>>) dst(%arg4 : memref<80x128xi32, #tpu.memory_space<vmem>>)
      tpu.yield
    }) : () -> ()
    %barrier3A = arith.constant 0 : index
    tpu.barrier barrier_id(%barrier3A)
    %scan3A_26 = arith.constant 0 : i32
    %scan3A_27 = arith.constant 0 : i32
    %scan3A_28 = arith.constant 80 : i32
    %scan3A_29 = arith.addi %scan3A_27, %scan3A_28 : i32
    %scan3A_30 = arith.constant 1 : i32
    %scan3A_31 = scf.for %scan3A_38 = %scan3A_27 to %scan3A_29 step %scan3A_30 iter_args(%scan3A_39 = %scan3A_26) -> (i32)  : i32 {
      "tpu.region"() ({
        %run_scoped3A = tpu.sem_alloc : memref<!tpu.dma_semaphore, #tpu.memory_space<semaphore_mem>>
        %dma_start3A = arith.constant 0 : i32
        %dma_start3A_41 = tpu.memref_slice %arg4[%scan3A_38, %dma_start3A] : memref<80x128xi32, #tpu.memory_space<vmem>> -> memref<1x128xi32, #tpu.memory_space<vmem>>
        %dma_start3A_42 = tpu.memref_squeeze %dma_start3A_41 : memref<1x128xi32, #tpu.memory_space<vmem>> -> memref<128xi32, #tpu.memory_space<vmem>>
        %dma_start3A_43 = arith.constant 0 : i32
        %dma_start3A_44 = arith.constant 0 : i32
        %dma_start3A_45 = tpu.memref_slice %arg6[%dma_start3A_43, %dma_start3A_44] : memref<10240x16xf32, #tpu.memory_space<vmem_shared>> -> memref<10240x16xf32, #tpu.memory_space<vmem_shared>>
        tpu.enqueue_indirect_dma source(%arg5 : memref<128x16xf32, #tpu.memory_space<vmem>>) target(%dma_start3A_45 : memref<10240x16xf32, #tpu.memory_space<vmem_shared>>) offsets(%dma_start3A_42 : memref<128xi32, #tpu.memory_space<vmem>>) semaphore(%run_scoped3A : memref<!tpu.dma_semaphore, #tpu.memory_space<semaphore_mem>>) {add = true}
        %dma_wait3A = arith.constant 0 : i32
        %dma_wait3A_46 = tpu.memref_slice %arg4[%scan3A_38, %dma_wait3A] : memref<80x128xi32, #tpu.memory_space<vmem>> -> memref<1x128xi32, #tpu.memory_space<vmem>>
        %dma_wait3A_47 = tpu.memref_squeeze %dma_wait3A_46 : memref<1x128xi32, #tpu.memory_space<vmem>> -> memref<128xi32, #tpu.memory_space<vmem>>
        %dma_wait3A_48 = arith.constant 0 : i32
        %dma_wait3A_49 = arith.constant 0 : i32
        %dma_wait3A_50 = tpu.memref_slice %arg6[%dma_wait3A_48, %dma_wait3A_49] : memref<10240x16xf32, #tpu.memory_space<vmem_shared>> -> memref<10240x16xf32, #tpu.memory_space<vmem_shared>>
        tpu.wait_indirect_dma semaphore(%run_scoped3A : memref<!tpu.dma_semaphore, #tpu.memory_space<semaphore_mem>>) src(%arg5 : memref<128x16xf32, #tpu.memory_space<vmem>>) dst(%dma_wait3A_50 : memref<10240x16xf32, #tpu.memory_space<vmem_shared>>)
        tpu.yield
      }) : () -> ()
      %scan3A_40 = arith.constant 0 : i32
      scf.yield %scan3A_40 : i32
    }
    %scan3A_32 = arith.constant 80 : i32
    %barrier3A_33 = arith.constant 0 : index
    tpu.barrier barrier_id(%barrier3A_33)
    %mul3A_34 = arith.constant 640 : i32
    %mul3A_35 = arith.muli %arg1, %mul3A_34 : i32
    %mul3A_36 = arith.constant 640 : i32
    %mul3A_37 = arith.muli %arg1, %mul3A_36 : i32
    "tpu.region"() ({
      %run_scoped3A = tpu.sem_alloc : memref<!tpu.dma_semaphore, #tpu.memory_space<semaphore_mem>>
      %dma_start3A = arith.constant 0 : i32
      %dma_start3A_38 = tpu.memref_slice %arg3[%arg0, %mul3A_37, %dma_start3A] : memref<2x10240x16xf32, #tpu.memory_space<hbm>> -> memref<1x640x16xf32, #tpu.memory_space<hbm>>
      %dma_start3A_39 = tpu.memref_squeeze %dma_start3A_38 : memref<1x640x16xf32, #tpu.memory_space<hbm>> -> memref<640x16xf32, #tpu.memory_space<hbm>>
      %dma_start3A_40 = arith.constant 0 : i32
      %dma_start3A_41 = tpu.memref_slice %arg6[%mul3A_35, %dma_start3A_40] : memref<10240x16xf32, #tpu.memory_space<vmem_shared>> -> memref<640x16xf32, #tpu.memory_space<vmem_shared>>
      tpu.enqueue_dma source(%dma_start3A_41 : memref<640x16xf32, #tpu.memory_space<vmem_shared>>) target(%dma_start3A_39 : memref<640x16xf32, #tpu.memory_space<hbm>>) target_semaphore(%run_scoped3A : memref<!tpu.dma_semaphore, #tpu.memory_space<semaphore_mem>>)
      %dma_wait3A = arith.constant 0 : i32
      %dma_wait3A_42 = tpu.memref_slice %arg3[%arg0, %mul3A_37, %dma_wait3A] : memref<2x10240x16xf32, #tpu.memory_space<hbm>> -> memref<1x640x16xf32, #tpu.memory_space<hbm>>
      %dma_wait3A_43 = tpu.memref_squeeze %dma_wait3A_42 : memref<1x640x16xf32, #tpu.memory_space<hbm>> -> memref<640x16xf32, #tpu.memory_space<hbm>>
      %dma_wait3A_44 = arith.constant 0 : i32
      %dma_wait3A_45 = tpu.memref_slice %arg6[%mul3A_35, %dma_wait3A_44] : memref<10240x16xf32, #tpu.memory_space<vmem_shared>> -> memref<640x16xf32, #tpu.memory_space<vmem_shared>>
      tpu.wait_dma2 semaphore(%run_scoped3A : memref<!tpu.dma_semaphore, #tpu.memory_space<semaphore_mem>>) src(%dma_wait3A_45 : memref<640x16xf32, #tpu.memory_space<vmem_shared>>) dst(%dma_wait3A_43 : memref<640x16xf32, #tpu.memory_space<hbm>>)
      tpu.yield
    }) : () -> ()
    return
  }
}

module attributes {stable_mosaic.version = 14 : i64} {
  func.func @_tc1_body(%arg0: i32, %arg1: memref<1000x128xf32, #tpu.memory_space<vmem>>, %arg2: memref<128x128xf32, #tpu.memory_space<vmem>>, %arg3: memref<1x1000x16xf32, #tpu.memory_space<vmem>>, %arg4: memref<1x1000x16xf32, #tpu.memory_space<vmem>>, %arg5: memref<1000x128xf32, #tpu.memory_space<vmem>>) attributes {dimension_semantics = [#tpu.dimension_semantics<arbitrary>], iteration_bounds = array<i64: 10>, scalar_prefetch = 0 : i64, scratch_operands = 0 : i64, tpu.core_type = #tpu.core_type<tc>, window_params = [{transform_indices = @transform_0, window_bounds = array<i64: 1000, 128>}, {pipeline_mode = #tpu.pipeline_mode<synchronous>, transform_indices = @transform_1, window_bounds = array<i64: 128, 128>}, {transform_indices = @transform_2, window_bounds = array<i64: 1, 1000, 16>}, {transform_indices = @transform_3, window_bounds = array<i64: 1, 1000, 16>}, {transform_indices = @transform_4, window_bounds = array<i64: 1000, 128>}]} {
    %get3A = arith.constant 0 : index
    %get3A_0 = arith.constant 0 : index
    %get3A_1 = arith.constant 0 : index
    %get3A_2 = vector.load %arg3[%get3A, %get3A_0, %get3A_1] : memref<1x1000x16xf32, #tpu.memory_space<vmem>>, vector<1x1000x1xf32>
    %get3A_3 = vector.shape_cast %get3A_2 : vector<1x1000x1xf32> to vector<1000x1xf32>
    %get3A_4 = arith.constant 0 : index
    %get3A_5 = arith.constant 0 : index
    %get3A_6 = arith.constant 0 : index
    %get3A_7 = vector.load %arg4[%get3A_4, %get3A_5, %get3A_6] : memref<1x1000x16xf32, #tpu.memory_space<vmem>>, vector<1x1000x1xf32>
    %get3A_8 = vector.shape_cast %get3A_7 : vector<1x1000x1xf32> to vector<1000x1xf32>
    %add3A = arith.addf %get3A_3, %get3A_8 : vector<1000x1xf32>
    %add3A_9 = arith.constant 1.000000e+00 : f32
    %add3A_10 = vector.broadcast %add3A_9 : f32 to vector<1000x1xf32>
    %add3A_11 = arith.addf %add3A, %add3A_10 : vector<1000x1xf32>
    %rsqrt3A = math.rsqrt %add3A_11 : vector<1000x1xf32>
    %get3A_12 = arith.constant 0 : index
    %get3A_13 = arith.constant 0 : index
    %get3A_14 = vector.load %arg1[%get3A_12, %get3A_13] : memref<1000x128xf32, #tpu.memory_space<vmem>>, vector<1000x128xf32>
    %get3A_15 = arith.constant 0 : index
    %get3A_16 = arith.constant 0 : index
    %get3A_17 = vector.load %arg2[%get3A_15, %get3A_16] : memref<128x128xf32, #tpu.memory_space<vmem>>, vector<128x128xf32>
    %dot_general3A = arith.constant dense<0.000000e+00> : vector<1000x128xf32>
    %dot_general3A_18 = tpu.matmul %get3A_14, %get3A_17, %dot_general3A {dimension_numbers = #tpu.dot_dimension_numbers<[1], [0], [0], [1], [0, 0, 1, 1], [], []>, transpose_lhs_hint = false} : vector<1000x128xf32>, vector<128x128xf32>, vector<1000x128xf32> -> vector<1000x128xf32>
    %mul3A = vector.broadcast %rsqrt3A : vector<1000x1xf32> to vector<1000x128xf32>
    %mul3A_19 = arith.mulf %dot_general3A_18, %mul3A : vector<1000x128xf32>
    %swap3A = arith.constant 0 : index
    %swap3A_20 = arith.constant 0 : index
    %swap3A_21 = vector.load %arg5[%swap3A, %swap3A_20] : memref<1000x128xf32, #tpu.memory_space<vmem>>, vector<1000x128xf32>
    tpu.vector_store %arg5[%swap3A, %swap3A_20], %mul3A_19 {strides = array<i32>} : memref<1000x128xf32, #tpu.memory_space<vmem>>, vector<1000x128xf32>,
    return
  }
  func.func @transform_0(%arg0: i32) -> (i32, i32) {
    %c0_i32 = arith.constant 0 : i32
    %c0_i32_0 = arith.constant 0 : i32
    return %arg0, %c0_i32 : i32, i32
  }
  func.func @transform_1(%arg0: i32) -> (i32, i32) {
    %c0_i32 = arith.constant 0 : i32
    %c0_i32_0 = arith.constant 0 : i32
    %c0_i32_1 = arith.constant 0 : i32
    return %c0_i32, %c0_i32_0 : i32, i32
  }
  func.func @transform_2(%arg0: i32) -> (i32, i32, i32) {
    %c0_i32 = arith.constant 0 : i32
    %c0_i32_0 = arith.constant 0 : i32
    %c0_i32_1 = arith.constant 0 : i32
    return %c0_i32, %arg0, %c0_i32_0 : i32, i32, i32
  }
  func.func @transform_3(%arg0: i32) -> (i32, i32, i32) {
    %c1_i32 = arith.constant 1 : i32
    %c0_i32 = arith.constant 0 : i32
    %c0_i32_0 = arith.constant 0 : i32
    return %c1_i32, %arg0, %c0_i32 : i32, i32, i32
  }
  func.func @transform_4(%arg0: i32) -> (i32, i32) {
    %c0_i32 = arith.constant 0 : i32
    %c0_i32_0 = arith.constant 0 : i32
    return %arg0, %c0_i32 : i32, i32
  }
}

module attributes {stable_mosaic.version = 14 : i64} {
  func.func @_tc_mid_body(%arg0: i32, %arg1: memref<1x1000x128xf32, #tpu.memory_space<vmem>>, %arg2: memref<1x1000x128xf32, #tpu.memory_space<vmem>>, %arg3: memref<1000x128xf32, #tpu.memory_space<vmem>>, %arg4: memref<1x1000x16xf32, #tpu.memory_space<vmem>>, %arg5: memref<1x1000x16xf32, #tpu.memory_space<vmem>>, %arg6: memref<1x128xf32, #tpu.memory_space<vmem>>, %arg7: memref<128x64xf32, #tpu.memory_space<vmem>>, %arg8: memref<1000x64xf32, #tpu.memory_space<vmem>>) attributes {dimension_semantics = [#tpu.dimension_semantics<arbitrary>], iteration_bounds = array<i64: 10>, scalar_prefetch = 0 : i64, scratch_operands = 0 : i64, tpu.core_type = #tpu.core_type<tc>, window_params = [{transform_indices = @transform_0, window_bounds = array<i64: 1, 1000, 128>}, {transform_indices = @transform_1, window_bounds = array<i64: 1, 1000, 128>}, {transform_indices = @transform_2, window_bounds = array<i64: 1000, 128>}, {transform_indices = @transform_3, window_bounds = array<i64: 1, 1000, 16>}, {transform_indices = @transform_4, window_bounds = array<i64: 1, 1000, 16>}, {pipeline_mode = #tpu.pipeline_mode<synchronous>, transform_indices = @transform_5, window_bounds = array<i64: 1, 128>}, {pipeline_mode = #tpu.pipeline_mode<synchronous>, transform_indices = @transform_6, window_bounds = array<i64: 128, 64>}, {transform_indices = @transform_7, window_bounds = array<i64: 1000, 64>}]} {
    %get3A = arith.constant 0 : index
    %get3A_0 = arith.constant 0 : index
    %get3A_1 = arith.constant 0 : index
    %get3A_2 = vector.load %arg4[%get3A, %get3A_0, %get3A_1] : memref<1x1000x16xf32, #tpu.memory_space<vmem>>, vector<1x1000x1xf32>
    %get3A_3 = vector.shape_cast %get3A_2 : vector<1x1000x1xf32> to vector<1000x1xf32>
    %get3A_4 = arith.constant 0 : index
    %get3A_5 = arith.constant 0 : index
    %get3A_6 = arith.constant 0 : index
    %get3A_7 = vector.load %arg5[%get3A_4, %get3A_5, %get3A_6] : memref<1x1000x16xf32, #tpu.memory_space<vmem>>, vector<1x1000x1xf32>
    %get3A_8 = vector.shape_cast %get3A_7 : vector<1x1000x1xf32> to vector<1000x1xf32>
    %add3A = arith.addf %get3A_3, %get3A_8 : vector<1000x1xf32>
    %add3A_9 = arith.constant 1.000000e+00 : f32
    %add3A_10 = vector.broadcast %add3A_9 : f32 to vector<1000x1xf32>
    %add3A_11 = arith.addf %add3A, %add3A_10 : vector<1000x1xf32>
    %rsqrt3A = math.rsqrt %add3A_11 : vector<1000x1xf32>
    %get3A_12 = arith.constant 0 : index
    %get3A_13 = arith.constant 0 : index
    %get3A_14 = arith.constant 0 : index
    %get3A_15 = vector.load %arg1[%get3A_12, %get3A_13, %get3A_14] : memref<1x1000x128xf32, #tpu.memory_space<vmem>>, vector<1x1000x128xf32>
    %get3A_16 = vector.shape_cast %get3A_15 : vector<1x1000x128xf32> to vector<1000x128xf32>
    %get3A_17 = arith.constant 0 : index
    %get3A_18 = arith.constant 0 : index
    %get3A_19 = arith.constant 0 : index
    %get3A_20 = vector.load %arg2[%get3A_17, %get3A_18, %get3A_19] : memref<1x1000x128xf32, #tpu.memory_space<vmem>>, vector<1x1000x128xf32>
    %get3A_21 = vector.shape_cast %get3A_20 : vector<1x1000x128xf32> to vector<1000x128xf32>
    %add3A_22 = arith.addf %get3A_16, %get3A_21 : vector<1000x128xf32>
    %get3A_23 = arith.constant 0 : index
    %get3A_24 = arith.constant 0 : index
    %get3A_25 = vector.load %arg3[%get3A_23, %get3A_24] : memref<1000x128xf32, #tpu.memory_space<vmem>>, vector<1000x128xf32>
    %add3A_26 = arith.addf %add3A_22, %get3A_25 : vector<1000x128xf32>
    %mul3A = vector.broadcast %rsqrt3A : vector<1000x1xf32> to vector<1000x128xf32>
    %mul3A_27 = arith.mulf %add3A_26, %mul3A : vector<1000x128xf32>
    %get3A_28 = arith.constant 0 : index
    %get3A_29 = arith.constant 0 : index
    %get3A_30 = vector.load %arg6[%get3A_28, %get3A_29] : memref<1x128xf32, #tpu.memory_space<vmem>>, vector<1x128xf32>
    %add3A_31 = vector.broadcast %get3A_30 : vector<1x128xf32> to vector<1000x128xf32>
    %add3A_32 = arith.addf %mul3A_27, %add3A_31 : vector<1000x128xf32>
    %max3A = arith.constant 0.000000e+00 : f32
    %max3A_33 = vector.broadcast %max3A : f32 to vector<1000x128xf32>
    %max3A_34 = arith.maximumf %add3A_32, %max3A_33 : vector<1000x128xf32>
    %get3A_35 = arith.constant 0 : index
    %get3A_36 = arith.constant 0 : index
    %get3A_37 = vector.load %arg7[%get3A_35, %get3A_36] : memref<128x64xf32, #tpu.memory_space<vmem>>, vector<128x64xf32>
    %dot_general3A = arith.constant dense<0.000000e+00> : vector<1000x64xf32>
    %dot_general3A_38 = tpu.matmul %max3A_34, %get3A_37, %dot_general3A {dimension_numbers = #tpu.dot_dimension_numbers<[1], [0], [0], [1], [0, 0, 1, 1], [], []>, transpose_lhs_hint = false} : vector<1000x128xf32>, vector<128x64xf32>, vector<1000x64xf32> -> vector<1000x64xf32>
    %mul3A_39 = vector.broadcast %rsqrt3A : vector<1000x1xf32> to vector<1000x64xf32>
    %mul3A_40 = arith.mulf %dot_general3A_38, %mul3A_39 : vector<1000x64xf32>
    %swap3A = arith.constant 0 : index
    %swap3A_41 = arith.constant 0 : index
    %swap3A_42 = vector.load %arg8[%swap3A, %swap3A_41] : memref<1000x64xf32, #tpu.memory_space<vmem>>, vector<1000x64xf32>
    tpu.vector_store %arg8[%swap3A, %swap3A_41], %mul3A_40 {strides = array<i32>} : memref<1000x64xf32, #tpu.memory_space<vmem>>, vector<1000x64xf32>,
    return
  }
  func.func @transform_0(%arg0: i32) -> (i32, i32, i32) {
    %c0_i32 = arith.constant 0 : i32
    %c0_i32_0 = arith.constant 0 : i32
    %c0_i32_1 = arith.constant 0 : i32
    return %c0_i32, %arg0, %c0_i32_0 : i32, i32, i32
  }
  func.func @transform_1(%arg0: i32) -> (i32, i32, i32) {
    %c1_i32 = arith.constant 1 : i32
    %c0_i32 = arith.constant 0 : i32
    %c0_i32_0 = arith.constant 0 : i32
    return %c1_i32, %arg0, %c0_i32 : i32, i32, i32
  }
  func.func @transform_2(%arg0: i32) -> (i32, i32) {
    %c0_i32 = arith.constant 0 : i32
    %c0_i32_0 = arith.constant 0 : i32
    return %arg0, %c0_i32 : i32, i32
  }
  func.func @transform_3(%arg0: i32) -> (i32, i32, i32) {
    %c0_i32 = arith.constant 0 : i32
    %c0_i32_0 = arith.constant 0 : i32
    %c0_i32_1 = arith.constant 0 : i32
    return %c0_i32, %arg0, %c0_i32_0 : i32, i32, i32
  }
  func.func @transform_4(%arg0: i32) -> (i32, i32, i32) {
    %c1_i32 = arith.constant 1 : i32
    %c0_i32 = arith.constant 0 : i32
    %c0_i32_0 = arith.constant 0 : i32
    return %c1_i32, %arg0, %c0_i32 : i32, i32, i32
  }
  func.func @transform_5(%arg0: i32) -> (i32, i32) {
    %c0_i32 = arith.constant 0 : i32
    %c0_i32_0 = arith.constant 0 : i32
    %c0_i32_1 = arith.constant 0 : i32
    return %c0_i32, %c0_i32_0 : i32, i32
  }
  func.func @transform_6(%arg0: i32) -> (i32, i32) {
    %c0_i32 = arith.constant 0 : i32
    %c0_i32_0 = arith.constant 0 : i32
    %c0_i32_1 = arith.constant 0 : i32
    return %c0_i32, %c0_i32_0 : i32, i32
  }
  func.func @transform_7(%arg0: i32) -> (i32, i32) {
    %c0_i32 = arith.constant 0 : i32
    %c0_i32_0 = arith.constant 0 : i32
    return %arg0, %c0_i32 : i32, i32
  }
}

module attributes {stable_mosaic.version = 14 : i64} {
  func.func @_tc_out_body(%arg0: i32, %arg1: memref<1x1000x64xf32, #tpu.memory_space<vmem>>, %arg2: memref<1x1000x64xf32, #tpu.memory_space<vmem>>, %arg3: memref<1000x64xf32, #tpu.memory_space<vmem>>, %arg4: memref<1x1000x16xf32, #tpu.memory_space<vmem>>, %arg5: memref<1x1000x16xf32, #tpu.memory_space<vmem>>, %arg6: memref<1x64xf32, #tpu.memory_space<vmem>>, %arg7: memref<1000x64xf32, #tpu.memory_space<vmem>>) attributes {dimension_semantics = [#tpu.dimension_semantics<arbitrary>], iteration_bounds = array<i64: 10>, scalar_prefetch = 0 : i64, scratch_operands = 0 : i64, tpu.core_type = #tpu.core_type<tc>, window_params = [{transform_indices = @transform_0, window_bounds = array<i64: 1, 1000, 64>}, {transform_indices = @transform_1, window_bounds = array<i64: 1, 1000, 64>}, {transform_indices = @transform_2, window_bounds = array<i64: 1000, 64>}, {transform_indices = @transform_3, window_bounds = array<i64: 1, 1000, 16>}, {transform_indices = @transform_4, window_bounds = array<i64: 1, 1000, 16>}, {pipeline_mode = #tpu.pipeline_mode<synchronous>, transform_indices = @transform_5, window_bounds = array<i64: 1, 64>}, {transform_indices = @transform_6, window_bounds = array<i64: 1000, 64>}]} {
    %get3A = arith.constant 0 : index
    %get3A_0 = arith.constant 0 : index
    %get3A_1 = arith.constant 0 : index
    %get3A_2 = vector.load %arg4[%get3A, %get3A_0, %get3A_1] : memref<1x1000x16xf32, #tpu.memory_space<vmem>>, vector<1x1000x1xf32>
    %get3A_3 = vector.shape_cast %get3A_2 : vector<1x1000x1xf32> to vector<1000x1xf32>
    %get3A_4 = arith.constant 0 : index
    %get3A_5 = arith.constant 0 : index
    %get3A_6 = arith.constant 0 : index
    %get3A_7 = vector.load %arg5[%get3A_4, %get3A_5, %get3A_6] : memref<1x1000x16xf32, #tpu.memory_space<vmem>>, vector<1x1000x1xf32>
    %get3A_8 = vector.shape_cast %get3A_7 : vector<1x1000x1xf32> to vector<1000x1xf32>
    %add3A = arith.addf %get3A_3, %get3A_8 : vector<1000x1xf32>
    %add3A_9 = arith.constant 1.000000e+00 : f32
    %add3A_10 = vector.broadcast %add3A_9 : f32 to vector<1000x1xf32>
    %add3A_11 = arith.addf %add3A, %add3A_10 : vector<1000x1xf32>
    %rsqrt3A = math.rsqrt %add3A_11 : vector<1000x1xf32>
    %get3A_12 = arith.constant 0 : index
    %get3A_13 = arith.constant 0 : index
    %get3A_14 = arith.constant 0 : index
    %get3A_15 = vector.load %arg1[%get3A_12, %get3A_13, %get3A_14] : memref<1x1000x64xf32, #tpu.memory_space<vmem>>, vector<1x1000x64xf32>
    %get3A_16 = vector.shape_cast %get3A_15 : vector<1x1000x64xf32> to vector<1000x64xf32>
    %get3A_17 = arith.constant 0 : index
    %get3A_18 = arith.constant 0 : index
    %get3A_19 = arith.constant 0 : index
    %get3A_20 = vector.load %arg2[%get3A_17, %get3A_18, %get3A_19] : memref<1x1000x64xf32, #tpu.memory_space<vmem>>, vector<1x1000x64xf32>
    %get3A_21 = vector.shape_cast %get3A_20 : vector<1x1000x64xf32> to vector<1000x64xf32>
    %add3A_22 = arith.addf %get3A_16, %get3A_21 : vector<1000x64xf32>
    %get3A_23 = arith.constant 0 : index
    %get3A_24 = arith.constant 0 : index
    %get3A_25 = vector.load %arg3[%get3A_23, %get3A_24] : memref<1000x64xf32, #tpu.memory_space<vmem>>, vector<1000x64xf32>
    %add3A_26 = arith.addf %add3A_22, %get3A_25 : vector<1000x64xf32>
    %mul3A = vector.broadcast %rsqrt3A : vector<1000x1xf32> to vector<1000x64xf32>
    %mul3A_27 = arith.mulf %add3A_26, %mul3A : vector<1000x64xf32>
    %get3A_28 = arith.constant 0 : index
    %get3A_29 = arith.constant 0 : index
    %get3A_30 = vector.load %arg6[%get3A_28, %get3A_29] : memref<1x64xf32, #tpu.memory_space<vmem>>, vector<1x64xf32>
    %add3A_31 = vector.broadcast %get3A_30 : vector<1x64xf32> to vector<1000x64xf32>
    %add3A_32 = arith.addf %mul3A_27, %add3A_31 : vector<1000x64xf32>
    %swap3A = arith.constant 0 : index
    %swap3A_33 = arith.constant 0 : index
    %swap3A_34 = vector.load %arg7[%swap3A, %swap3A_33] : memref<1000x64xf32, #tpu.memory_space<vmem>>, vector<1000x64xf32>
    tpu.vector_store %arg7[%swap3A, %swap3A_33], %add3A_32 {strides = array<i32>} : memref<1000x64xf32, #tpu.memory_space<vmem>>, vector<1000x64xf32>,
    return
  }
  func.func @transform_0(%arg0: i32) -> (i32, i32, i32) {
    %c0_i32 = arith.constant 0 : i32
    %c0_i32_0 = arith.constant 0 : i32
    %c0_i32_1 = arith.constant 0 : i32
    return %c0_i32, %arg0, %c0_i32_0 : i32, i32, i32
  }
  func.func @transform_1(%arg0: i32) -> (i32, i32, i32) {
    %c1_i32 = arith.constant 1 : i32
    %c0_i32 = arith.constant 0 : i32
    %c0_i32_0 = arith.constant 0 : i32
    return %c1_i32, %arg0, %c0_i32 : i32, i32, i32
  }
  func.func @transform_2(%arg0: i32) -> (i32, i32) {
    %c0_i32 = arith.constant 0 : i32
    %c0_i32_0 = arith.constant 0 : i32
    return %arg0, %c0_i32 : i32, i32
  }
  func.func @transform_3(%arg0: i32) -> (i32, i32, i32) {
    %c0_i32 = arith.constant 0 : i32
    %c0_i32_0 = arith.constant 0 : i32
    %c0_i32_1 = arith.constant 0 : i32
    return %c0_i32, %arg0, %c0_i32_0 : i32, i32, i32
  }
  func.func @transform_4(%arg0: i32) -> (i32, i32, i32) {
    %c1_i32 = arith.constant 1 : i32
    %c0_i32 = arith.constant 0 : i32
    %c0_i32_0 = arith.constant 0 : i32
    return %c1_i32, %arg0, %c0_i32 : i32, i32, i32
  }
  func.func @transform_5(%arg0: i32) -> (i32, i32) {
    %c0_i32 = arith.constant 0 : i32
    %c0_i32_0 = arith.constant 0 : i32
    %c0_i32_1 = arith.constant 0 : i32
    return %c0_i32, %c0_i32_0 : i32, i32
  }
  func.func @transform_6(%arg0: i32) -> (i32, i32) {
    %c0_i32 = arith.constant 0 : i32
    %c0_i32_0 = arith.constant 0 : i32
    return %arg0, %c0_i32 : i32, i32
  }
}

</mosaic_0001>

<sc_bundles>
// kernel: kernel.11.cloned.1.call-start
scs
__scs_entry_jumppad:
0x0: {  	(pc) =	sbr.rel $0x88, $3  }
0x1: {  	(tag) =	ssettag $0x0;
	lr =	simm.s32 $0x1  }
0x2: {  	[smem:$0x3F9B] =	sst lr;
	_ =	strace $0xD0000000  }
0x3: {  	_ = 	snop  }
0x4: {  	_ = 	snop  }
0x5: {  	_ = 	snop  }
0x6: {  	_ = 	snop  }
0x7: {  	_ = 	snop  }
__scs_overlays_trampoline_lowered:
0x8: {  	[smem:$0x3FAA] =	sst s0  }
0x9: {  	[smem:$0x3FAB] =	sst s1  }
0xa: {  	[smem:$0x3FAC] =	sst s2  }
0xb: {  	[smem:$0x3FAD] =	sst s3  }
0xc: {  	[smem:$0x3FAE] =	sst s4  }
0xd: {  	[smem:$0x3FAF] =	sst s5  }
0xe: {  	[smem:$0x3FB0] =	sst s6  }
0xf: {  	[smem:$0x3FB1] =	sst s7  }
0x10: {  	[smem:$0x3FB2] =	sst s8  }
0x11: {  	[smem:$0x3FB3] =	sst s9;
	s0 =	simm.s32 @!p0 $0x0  }
0x12: {  	s1 =	sld [smem:$0x3F99];
	s0 =	simm.s32 @p0 $0x1  }
0x13: {  	[smem:$0x3FB4] =	sst s0;
	s0 =	simm.s32 @!p1 $0x0  }
0x14: {  	s2 =	sld [smem:$0x3F98];
	s0 =	simm.s32 @p1 $0x1  }
0x15: {  	[smem:$0x3FB5] =	sst s0;
	s0 =	simm.s32 @!p2 $0x0  }
0x16: {  	s3 =	sld [smem:$0x3FDB];
	s0 =	simm.s32 @p2 $0x1  }
0x17: {  	s4 =	simm.s32 $0x1BF5;
	[smem:$0x3FB7] =	sst s0  }
0x18: {  	s0 =	sld [smem:$0x3F9A];
	_ =	swait.ge [sflag:s4], $0x0  }
0x19: {  	s7 =	sld [smem:$0x3F9B]  }
0x1a: {  	s8 =	sadd.s32 $0xFFFFE003, lr  }
0x1b: {  	s9 =	sadd.s32 $0xFFFFFEF7, lr;
	s5 =	simm.s32 $0xFFFFFFFF;
	p2 =	slt.u32 s8, $0xFFFFF086  }
0x1c: {  	p1 =	slt.u32 s9, $0xF7A;
	s5 =	simm.s32 @!p2 $0x0  }
0x1d: {  	s5 =	simm.s32 @p1 $0x1;
	p0 =	seq.s32 s7, s2  }
0x1e: {  	s7 =	smul.u32 @!p0 $0xF7A, s2;
	p2 =	seq.s32 @!p0 s5, $0x0  }
0x1f: {  	s9 =	smul.u32 $0xF7A, s1;
	s8 =	simm.s32 @!p0 $0x1BF5;
	p2 =	por !p2, p0  }
0x20: {  	[sflag:s8] =	ssyncset.s32 @!p0 $0xFFFFF086;
	s6 =	sadd.s32 @!p0 s3, s7;
	s7 =	simm.s32 @!p0 $0x108  }
0x21: {  	s3 =	sadd.s32 s3, s9;
	s6 =	sadd.s32 @!p0 $0x88, s6;
	s7 =	simm.s32 @p2 $0x1082  }
0x22: {  	[simem:s7], [sflag:s8] =	dma.local @!p0 [hbm:s6], $0xF7A  }
0x23: {  	s9 =	sor.u32 $0xD0000000, s2;
	s6 =	simm.s32 $0x108;
	_ =	swait.ge @!p0 [sflag:s8], $0x0  }
0x24: {  	s3 =	sadd.s32 $0x88, s3;
	s6 =	simm.s32 @!p1 $0x1082;
	[sflag:s4] =	ssyncset.s32 $0xFFFFF086  }
0x25: {  	[simem:s6], [sflag:s4] =	dma.local [hbm:s3], $0xF7A  }
0x26: {  	[smem:$0x3F9B] =	sst s1;
	(tag) =	ssettag s2;
	_ =	strace s9  }
0x27: {  	s1 =	sld [smem:$0x3FAB]  }
0x28: {  	s2 =	sld [smem:$0x3FAC]  }
0x29: {  	s4 =	sld [smem:$0x3FAE]  }
0x2a: {  	p0 =	seq.s32 s5, $0x0;
	s5 =	sld [smem:$0x3FAF]  }
0x2b: {  	s6 =	sld [smem:$0x3FB0]  }
0x2c: {  	s7 =	sld [smem:$0x3FB1]  }
0x2d: {  	s3 =	simm.s32 $0x108;
	s8 =	sld [smem:$0x3FB2]  }
0x2e: {  	s3 =	simm.s32 @!p0 $0x1082;
	s9 =	sld [smem:$0x3FB3]  }
0x2f: {  	lr =	sadd.s32 s0, s3;
	s0 =	sld [smem:$0x3FAA]  }
0x30: {  	s3 =	sld [smem:$0x3FAD]  }
0x31: {  	[smem:$0x3FB6] =	sst s10  }
0x32: {  	s10 =	sld [smem:$0x3FB4];
	_ =	sdelay $0x3  }
0x33: {  	p0 =	seq.s32 s10, $0x1;
	s10 =	sld [smem:$0x3FB6];
	_ =	sdelay $0x3  }
0x34: {  	[smem:$0x3FB6] =	sst s10  }
0x35: {  	s10 =	sld [smem:$0x3FB5];
	_ =	sdelay $0x3  }
0x36: {  	p1 =	seq.s32 s10, $0x1;
	s10 =	sld [smem:$0x3FB6];
	_ =	sdelay $0x3  }
0x37: {  	[smem:$0x3FB6] =	sst s10  }
0x38: {  	s10 =	sld [smem:$0x3FB7]  }
0x39: {  	_ = 	snop;
	(pc) =	sbr.ind lr, $3  }
0x3a: {  	_ = 	snop  }
0x3b: {  	_ = 	snop  }
0x3c: {  	p2 =	seq.s32 s10, $0x1;
	s10 =	sld [smem:$0x3FB6]  }
0x3d: {  	_ =	shalt  }
0x3e: {  	_ =	shalt  }
0x3f: {  	_ =	shalt  }
0x40: {  	_ =	shalt  }
0x41: {  	_ =	shalt  }
0x42: {  	_ =	shalt  }
0x43: {  	_ =	shalt  }
0x44: {  	_ =	shalt  }
0x45: {  	_ =	shalt  }
0x46: {  	_ =	shalt  }
0x47: {  	_ =	shalt  }
0x48: {  	_ =	shalt  }
0x49: {  	_ =	shalt  }
0x4a: {  	_ =	shalt  }
0x4b: {  	_ =	shalt  }
0x4c: {  	_ =	shalt  }
0x4d: {  	_ =	shalt  }
0x4e: {  	_ =	shalt  }
0x4f: {  	_ =	shalt  }
0x50: {  	_ =	shalt  }
0x51: {  	_ =	shalt  }
0x52: {  	_ =	shalt  }
0x53: {  	_ =	shalt  }
0x54: {  	_ =	shalt  }
0x55: {  	_ =	shalt  }
0x56: {  	_ =	shalt  }
0x57: {  	_ =	shalt  }
0x58: {  	_ =	shalt  }
0x59: {  	_ =	shalt  }
0x5a: {  	_ =	shalt  }
0x5b: {  	_ =	shalt  }
0x5c: {  	_ =	shalt  }
0x5d: {  	_ =	shalt  }
0x5e: {  	_ =	shalt  }
0x5f: {  	_ =	shalt  }
0x60: {  	_ =	shalt  }
0x61: {  	_ =	shalt  }
0x62: {  	_ =	shalt  }
0x63: {  	_ =	shalt  }
0x64: {  	_ =	shalt  }
0x65: {  	_ =	shalt  }
0x66: {  	_ =	shalt  }
0x67: {  	_ =	shalt  }
0x68: {  	_ =	shalt  }
0x69: {  	_ =	shalt  }
0x6a: {  	_ =	shalt  }
0x6b: {  	_ =	shalt  }
0x6c: {  	_ =	shalt  }
0x6d: {  	_ =	shalt  }
0x6e: {  	_ =	shalt  }
0x6f: {  	_ =	shalt  }
0x70: {  	_ =	shalt  }
0x71: {  	_ =	shalt  }
0x72: {  	_ =	shalt  }
0x73: {  	_ =	shalt  }
0x74: {  	_ =	shalt  }
0x75: {  	_ =	shalt  }
0x76: {  	_ =	shalt  }
0x77: {  	_ =	shalt  }
0x78: {  	_ =	shalt  }
0x79: {  	_ =	shalt  }
0x7a: {  	_ =	shalt  }
0x7b: {  	_ =	shalt  }
0x7c: {  	_ =	shalt  }
0x7d: {  	_ =	shalt  }
0x7e: {  	_ =	shalt  }
0x7f: {  	_ =	shalt  }
0x80: {  	_ =	shalt  }
0x81: {  	_ =	shalt  }
0x82: {  	_ =	shalt  }
0x83: {  	_ =	shalt  }
0x84: {  	_ =	shalt  }
0x85: {  	_ =	shalt  }
0x86: {  	_ =	shalt  }
0x87: {  	_ =	shalt  }
.Lfunc_end0:
.L_simem_size_0:
called_computation.1_lowered:
.L_overlay_start_0:
0x88: {  	s2 =	sld [smem:$0x3FD9]  }
0x89: {  	s3 =	sld [smem:$0x3FFE];
	_ =	sdelay $0x1  }
0x8a: {  	s1 =	srdreg.scid  }
0x8b: {  	s0 =	sand.u32 $0x1, s1  }
0x8c: {  	s16 =	sshll.u32 s0, $0xA;
	s2 =	sadd.s32 s3, s2  }
0x8d: {  	s2 =	sadd.s32 s2, s16  }
0x8e: {  	[smem:$0x3FC2] =	sst s2  }
0x8f: {  	_ = 	snop  }
0x90: {  	(tm) =	ssettm $0x1  }
0x91: {  	s17 =	sld [smem:$0x3FFB];
	_ =	sdelay $0x3  }
0x92: {  	_ =	strace s17  }
0x93: {  	s2 =	sld [smem:$0x3FFC];
	_ =	sdelay $0x3  }
0x94: {  	_ =	strace s2  }
0x95: {  	s2 =	sld [smem:$0x3FFD];
	_ =	sdelay $0x3  }
0x96: {  	_ =	strace s2  }
0x97: {  	_ =	strace $0x8FFFFFFF  }
0x98: {  	s18 =	sld [smem:$0x3FDB];
	_ =	sdelay $0x1  }
0x99: {  	s19 =	simm.s32 $_scs_section_size  }
0x9a: {  	s4 =	simm.s32 $_size__tile_overlayer_lowered;
	s5 =	simm.s32 $_tile_overlayer_lowered  }
0x9b: {  	s22 =	simm.s32 $0x1BFF;
	s21 =	sshll.u32 s5, $0x1;
	s2 =	sadd.s32 s19, s18  }
0x9c: {  	s6 =	simm.s32 $0x0;
	s20 =	sshll.u32 s4, $0x1;
	s4 =	sadd.s32 s21, s2  }
0x9d: {  	[timem:s6], [sflag:s22] =	dma.local [hbm:s4], s20  }
0x9e: {  	_ =	swait.ge [sflag:s22], s20  }
0x9f: {  	s3 =	ssub.s32 $0x0, s20;
	[sflag:s22] =	ssyncset.done $0x0  }
0xa0: {  	[sflag:s22] =	ssyncadd.s32 s3;
	_ =	sdelay $0x1  }
0xa1: {  	s23 =	simm.s32 $0x1B8B  }
0xa2: {  	_ =	swait.ge [sflag:s23], $0x1  }
0xa3: {  	[sflag:s23] =	ssyncset.done $0x0  }
0xa4: {  	s25 =	simm.s32 $0x1B8E;
	s24 =	sld [smem:$0x3FFE];
	[sflag:s23] =	ssyncadd.s32 $0xFFFFFFFF  }
0xa5: {  	s26 =	simm.s32 $execute0_lowered;
	[smem:$0x3FD2] =	sst s25  }
0xa6: {  	s4 =	sshll.u32 s26, $0x1;
	_ =	strace $0x80000049;
	[dreg:$0x1] =	wrdreg $0xFFFFFFFF  }
0xa7: {  	s28 =	simm.s32 $_size_execute0_lowered;
	s2 =	sadd.s32 s2, s4;
	[dreg:$0x0] =	wrdreg $0x0  }
0xa8: {  	s4 =	sshll.u32 s28, $0x1;
	[dreg:$0x2] =	wrdreg s2  }
0xa9: {  	[dreg:$0x3] =	wrdreg s4  }
0xaa: {  	[dreg:$0x4] =	wrdreg $0xC0  }
0xab: {  	_ =	task [dreg:s6], $0x5FFFF  }
0xac: {  	[dreg:$0x1] =	wrdreg $0xFFFFFFFF  }
0xad: {  	[dreg:$0x0] =	wrdreg $0x60  }
0xae: {  	[dreg:$0x2] =	wrdreg s24  }
0xaf: {  	[dreg:$0x3] =	wrdreg $0xAA000  }
0xb0: {  	[dreg:$0x4] =	wrdreg $0x9  }
0xb1: {  	_ =	task.clear_ibuf [dreg:s6], $0x5FFFF;
	_ =	strace $0x90000049  }
0xb2: {  	s29 =	simm.s32 $0x9;
	_ =	strace $0x8000004B  }
0xb3: {  	_ =	swait.ge [sflag:s29], $0x1  }
0xb4: {  	[sflag:s29] =	ssyncadd.s32 $0xFFFFFFFF  }
0xb5: {  	_ =	strace $0x9000004B  }
0xb6: {  	_ =	sfence  }
0xb7: {  	s30 =	sld [smem:$0x0];
	_ =	sdelay $0x2  }
0xb8: {  	s31 =	sshll.u32 s1, $0xD;
	s1 =	sshrl.u32 s1, $0x2  }
0xb9: {  	s3 =	sand.u32 $0x4000, s31;
	s1 =	sadd.s32 s1, s30  }
0xba: {  	s0 =	sor.u32 s3, s0;
	s1 =	sshll.u32 s1, $0x11  }
0xbb: {  	s0 =	sor.u32 s1, s0  }
0xbc: {  	s0 =	sadd.s32 $0x8F2B, s0  }
0xbd: {  	[sflag:s0] =	ssyncadd.remote.s32 $0x1  }
0xbe: {  	_ =	sfence.sel $0xFFFF  }
0xbf: {  	[dreg:$0x0] =	wrdreg $0xFFFFFFFF;
	(pc) =	sbr.abs _section_cstart, $3  }
0xc0: {  	[dreg:$0x1] =	wrdreg $0xFFFFFFFF  }
0xc1: {  	_ =	task.clear_ibuf [dreg:s6], $0x2FFFF;
	_ =	strace $0x9FFFFFFF  }
0xc2: {  	(tm) =	ssettm $0x7FFFFFFF  }
0xc3: {  	_ =	shalt  }
tec
execute0_lowered:
.L_overlay_start_1:
0x0: {  	(tag) =	ssettag $0x1  }
0x1: {  	s1 =	srdreg.scid;
	s6 =	rddreg [dreg:$0x0]  }
0x2: {  	s0 =	stileid.u32;
	s2 =	rddreg [dreg:$0x1]  }
0x3: {  	s3 =	simm.s32 $0x0;
	s14 =	simm.s32 $0x3;
	s15 =	simm.s32 $0x80  }
0x4: {  	s16 =	simm.s32 $0x2800;
	s17 =	simm.s32 $0x2880;
	s18 =	simm.s32 $0x6A00  }
0x5: {  	s19 =	simm.s32 $0x1;
	s20 =	simm.s32 $0x2900;
	s21 =	simm.s32 $0x2  }
0x6: {  	s22 =	simm.s32 $0x2980;
	s5 =	sand.u32 $0x1, s1;
	s8 =	smul.u32 $0x14000, s0  }
0x7: {  	s28 =	sshll.u32 s0, $0x1;
	[smem:$0x7FF] =	sst s3;
	s10 =	smul.u32 $0x50000, s0  }
0x8: {  	s4 =	sadd.s32 $0x5C400, s6;
	s1 =	sor.u32 s5, s28;
	s9 =	smul.u32 $0x140000, s5  }
0x9: {  	s5 =	ssub.s32 $0x2, s5;
	s7 =	smul.u32 $0x500, s1;
	s1 =	rddreg [dreg:$0x2]  }
0xa: {  	_ =	strace $0x8000004A;
	s30 =	sshrl.u32 s5, $0x1;
	s10 =	sshrl.u32 s10, $0x2  }
0xb: {  	s29 =	sadd.s32 s8, s9;
	s13 =	ssub.s32 s5, s30;
	s31 =	sadd.s32 s10, s2  }
0xc: {  	s5 =	sadd.s32 s8, s2;
	s11 =	sadd.s32 s7, s6;
	s7 =	sshrl.u32 s29, $0x3  }
0xd: {  	s8 =	sadd.s32 $0xC000, s31;
	s9 =	sadd.s32 $0x10000, s31;
	s12 =	sadd.s32 s7, s6  }
0xe: {  	s6 =	sadd.s32 $0x4000, s31;
	s7 =	sadd.s32 $0x8000, s31;
	s10 =	sadd.s32 $0x2400, s11  }
0xf: {  	v0 =	vimm.f32 $0.0e+00;
	s11 =	sadd.s32 $0x83600, s12;
	s12 =	smax.u32 s13, $0x1;
	s13 =	simm.s32 $0x2A00  }
.LBB2_1:
0x10: {  	s23 =	simm.s32 $0x0;
	s24 =	simm.s32 $0x200  }
.LBB2_2:
0x11: {  	p0 =	sne.s32 s24, $0xFE00;
	[tilespmem:s23+$0x2A70] =	vst v0  }
0x12: {  	[tilespmem:s23+$0x2A00] =	vst v0  }
0x13: {  	[tilespmem:s23+$0x2A10] =	vst v0  }
.Ltmp0:
0x14: {  	[tilespmem:s23+$0x2A20] =	vst v0;
	(pc) =	sbr.rel @p0 .LBB2_2-.Ltmp0, $4  }
0x15: {  	[tilespmem:s23+$0x2A30] =	vst v0  }
0x16: {  	[tilespmem:s23+$0x2A40] =	vst v0  }
0x17: {  	[tilespmem:s23+$0x2A50] =	vst v0  }
0x18: {  	[tilespmem:s23+$0x2A60] =	vst v0;
	s23 =	sshra.s32 s24, $0x2;
	s24 =	sadd.s32 $0x200, s24  }
0x19: {  	[tilespmem:s23+$0x2A70] =	vst v0  }
0x1a: {  	[tilespmem:s23+$0x2A00] =	vst v0  }
0x1b: {  	[tilespmem:s23+$0x2A10] =	vst v0  }
0x1c: {  	[tilespmem:s23+$0x2A20] =	vst v0  }
0x1d: {  	[tilespmem:s23+$0x2A30] =	vst v0  }
0x1e: {  	[tilespmem:s23+$0x2A40] =	vst v0  }
0x1f: {  	[tilespmem:s23+$0x2A50] =	vst v0  }
0x20: {  	[tilespmem:s23+$0x2A60] =	vst v0  }
0x21: {  	[spmem:s5] =	stream.linear.scatter [tilespmem:s13], [sflag:$0x3], $0x4000, $0x38;
	[tilespmem:$0x1EA00] =	vst v63  }
0x22: {  	_ =	swait.ge [sflag:s14], $0x4000  }
0x23: {  	[sflag:s14] =	ssyncset.done $0x0  }
0x24: {  	[sflag:s14] =	ssyncadd.s32 $0xFFFFC000  }
0x25: {  	[spmem:s6] =	stream.linear.scatter [tilespmem:s13], [sflag:$0x3], $0x4000, $0x38;
	[tilespmem:$0x1EA00] =	vst v63  }
0x26: {  	_ =	swait.ge [sflag:s14], $0x4000  }
0x27: {  	[sflag:s14] =	ssyncset.done $0x0  }
0x28: {  	[sflag:s14] =	ssyncadd.s32 $0xFFFFC000  }
0x29: {  	[spmem:s7] =	stream.linear.scatter [tilespmem:s13], [sflag:$0x3], $0x4000, $0x38;
	[tilespmem:$0x1EA00] =	vst v63  }
0x2a: {  	_ =	swait.ge [sflag:s14], $0x4000  }
0x2b: {  	[sflag:s14] =	ssyncset.done $0x0  }
0x2c: {  	[sflag:s14] =	ssyncadd.s32 $0xFFFFC000  }
0x2d: {  	[spmem:s8] =	stream.linear.scatter [tilespmem:s13], [sflag:$0x3], $0x4000, $0x38;
	[tilespmem:$0x1EA00] =	vst v63  }
0x2e: {  	_ =	swait.ge [sflag:s14], $0x4000  }
0x2f: {  	[sflag:s14] =	ssyncset.done $0x0  }
0x30: {  	[sflag:s14] =	ssyncadd.s32 $0xFFFFC000  }
0x31: {  	[spmem:s9] =	stream.linear.scatter [tilespmem:s13], [sflag:$0x3], $0x4000, $0x38;
	[tilespmem:$0x1EA00] =	vst v63  }
0x32: {  	_ =	swait.ge [sflag:s14], $0x4000  }
0x33: {  	[sflag:s14] =	ssyncset.done $0x0  }
0x34: {  	s30 =	simm.s32 $0x0;
	[sflag:s14] =	ssyncadd.s32 $0xFFFFC000  }
0x35: {  	[tilespmem:s30], [sflag:$0x3] =	stream.linear.gather [hbm4b:s10+s30], $0x2800, $0x38;
	[tilespmem:$0x1EA00] =	vst v63  }
0x36: {  	_ =	swait.ge [sflag:s14], $0x2800  }
0x37: {  	[sflag:s14] =	ssyncset.done $0x0  }
0x38: {  	[sflag:s14] =	ssyncadd.s32 $0xFFFFD800  }
0x39: {  	[bflag:$0x0] =	sbarrier.arrive $0xFFFF  }
0x3a: {  	v1 =	vld [tilespmem:$0x0];
	_ =	sdelay $0x1  }
0x3b: {  	v2 =	vld [tilespmem:$0x10];
	_ =	sdelay $0x1  }
0x3c: {  	v3 =	vld [tilespmem:$0x20]  }
0x3d: {  	v4 =	vand.u32 $0x3FFF, v1  }
0x3e: {  	v62 =	vld [tilespmem:$0x30];
	v1 =	vshrl.u32 v1, $0xE;
	[tilespmem:$0x2800] =	vst v4  }
0x3f: {  	[tilespmem:$0x2900] =	vst v1;
	v1 =	vand.u32 $0x3FFF, v2  }
0x40: {  	[tilespmem:$0x2810] =	vst v1;
	v1 =	vshrl.u32 v2, $0xE;
	v2 =	vld [tilespmem:$0x40]  }
0x41: {  	[tilespmem:$0x2910] =	vst v1;
	v1 =	vand.u32 $0x3FFF, v3  }
0x42: {  	[tilespmem:$0x2820] =	vst v1;
	v1 =	vshrl.u32 v3, $0xE;
	v3 =	vld [tilespmem:$0x50]  }
0x43: {  	[tilespmem:$0x2920] =	vst v1;
	v1 =	vand.u32 $0x3FFF, v62  }
0x44: {  	v63 =	vld [tilespmem:$0x60];
	[tilespmem:$0x2830] =	vst v1;
	v1 =	vshrl.u32 v62, $0xE  }
0x45: {  	[tilespmem:$0x2930] =	vst v1;
	v1 =	vand.u32 $0x3FFF, v2  }
0x46: {  	[tilespmem:$0x2840] =	vst v1;
	v1 =	vshrl.u32 v2, $0xE;
	v2 =	vld [tilespmem:$0x70]  }
0x47: {  	[tilespmem:$0x2940] =	vst v1;
	v1 =	vand.u32 $0x3FFF, v3  }
0x48: {  	[tilespmem:$0x2850] =	vst v1;
	v1 =	vshrl.u32 v3, $0xE  }
0x49: {  	[tilespmem:$0x2950] =	vst v1;
	v1 =	vand.u32 $0x3FFF, v63  }
0x4a: {  	[tilespmem:$0x2860] =	vst v1;
	v1 =	vshrl.u32 v63, $0xE  }
0x4b: {  	[tilespmem:$0x2960] =	vst v1;
	v1 =	vand.u32 $0x3FFF, v2  }
0x4c: {  	[tilespmem:$0x2870] =	vst v1;
	v1 =	vshrl.u32 v2, $0xE  }
0x4d: {  	s31 =	simm.s32 $0x0;
	[tilespmem:$0x2970] =	vst v1  }
0x4e: {  	[tilespmem:s13], [sflag:$0x1] =	stream.indirect.gather [hbm4b:s4+s15], $0x80, s16, s15, $0xb8;
	[tilespmem:$0x1EA00] =	vst v63  }
0x4f: {  	v1 =	vld [tilespmem:s31+$0x80];
	_ =	sdelay $0x4  }
0x50: {  	v2 =	vand.u32 $0x3FFF, v1  }
0x51: {  	v1 =	vshrl.u32 v1, $0xE;
	[tilespmem:$0x2880] =	vst v2  }
0x52: {  	[tilespmem:$0x2980] =	vst v1  }
0x53: {  	v1 =	vld [tilespmem:s31+$0x90];
	_ =	sdelay $0x4  }
0x54: {  	v2 =	vand.u32 $0x3FFF, v1  }
0x55: {  	v1 =	vshrl.u32 v1, $0xE;
	[tilespmem:$0x2890] =	vst v2  }
0x56: {  	[tilespmem:$0x2990] =	vst v1  }
0x57: {  	v1 =	vld [tilespmem:s31+$0xA0];
	_ =	sdelay $0x4  }
0x58: {  	v2 =	vand.u32 $0x3FFF, v1  }
0x59: {  	v1 =	vshrl.u32 v1, $0xE;
	[tilespmem:$0x28A0] =	vst v2  }
0x5a: {  	[tilespmem:$0x29A0] =	vst v1  }
0x5b: {  	v1 =	vld [tilespmem:s31+$0xB0];
	_ =	sdelay $0x4  }
0x5c: {  	v2 =	vand.u32 $0x3FFF, v1  }
0x5d: {  	v1 =	vshrl.u32 v1, $0xE;
	[tilespmem:$0x28B0] =	vst v2  }
0x5e: {  	[tilespmem:$0x29B0] =	vst v1  }
0x5f: {  	v1 =	vld [tilespmem:s31+$0xC0];
	_ =	sdelay $0x4  }
0x60: {  	v2 =	vand.u32 $0x3FFF, v1  }
0x61: {  	v1 =	vshrl.u32 v1, $0xE;
	[tilespmem:$0x28C0] =	vst v2  }
0x62: {  	[tilespmem:$0x29C0] =	vst v1  }
0x63: {  	v1 =	vld [tilespmem:s31+$0xD0];
	_ =	sdelay $0x4  }
0x64: {  	v2 =	vand.u32 $0x3FFF, v1  }
0x65: {  	v1 =	vshrl.u32 v1, $0xE;
	[tilespmem:$0x28D0] =	vst v2  }
0x66: {  	[tilespmem:$0x29D0] =	vst v1  }
0x67: {  	v1 =	vld [tilespmem:s31+$0xE0];
	_ =	sdelay $0x4  }
0x68: {  	v2 =	vand.u32 $0x3FFF, v1  }
0x69: {  	v1 =	vshrl.u32 v1, $0xE;
	[tilespmem:$0x28E0] =	vst v2  }
0x6a: {  	[tilespmem:$0x29E0] =	vst v1  }
0x6b: {  	v1 =	vld [tilespmem:s31+$0xF0];
	_ =	sdelay $0x4  }
0x6c: {  	v2 =	vand.u32 $0x3FFF, v1  }
0x6d: {  	v1 =	vshrl.u32 v1, $0xE;
	[tilespmem:$0x28F0] =	vst v2  }
0x6e: {  	[tilespmem:$0x29F0] =	vst v1  }
0x6f: {  	[tilespmem:s18], [sflag:$0x2] =	stream.indirect.gather [hbm4b:s4+s15], $0x80, s17, s15, $0xb8;
	[tilespmem:$0x1EA00] =	vst v63  }
0x70: {  	_ =	swait.ge [sflag:s19], $0x4000  }
0x71: {  	[sflag:s19] =	ssyncset.done $0x0  }
0x72: {  	[sflag:s19] =	ssyncadd.s32 $0xFFFFC000  }
0x73: {  	[spmem:s2] =	stream.indirect.scatter.add.f32 [tilespmem:s13], [sflag:$0x3], $0x80, s20, s15, $0xb8;
	[tilespmem:$0x1EA00] =	vst v63  }
0x74: {  	_ =	swait.ge [sflag:s14], $0x4000  }
0x75: {  	p1 =	por $0x0, $0x0;
	[sflag:s14] =	ssyncset.done $0x0  }
0x76: {  	s24 =	simm.s32 @!p1 $0x0;
	[sflag:s14] =	ssyncadd.s32 $0xFFFFC000  }
0x77: {  	v1 =	vld @!p1 [tilespmem:s24+$0x100];
	_ =	sdelay $0x4  }
0x78: {  	v2 =	vand.u32 @!p1 $0x3FFF, v1  }
0x79: {  	v1 =	vshrl.u32 @!p1 v1, $0xE;
	[tilespmem:$0x2800] =	vst @!p1 v2  }
0x7a: {  	[tilespmem:$0x2900] =	vst @!p1 v1  }
0x7b: {  	v1 =	vld @!p1 [tilespmem:s24+$0x110];
	_ =	sdelay $0x4  }
0x7c: {  	v2 =	vand.u32 @!p1 $0x3FFF, v1  }
0x7d: {  	v1 =	vshrl.u32 @!p1 v1, $0xE;
	[tilespmem:$0x2810] =	vst @!p1 v2  }
0x7e: {  	[tilespmem:$0x2910] =	vst @!p1 v1  }
0x7f: {  	v1 =	vld @!p1 [tilespmem:s24+$0x120];
	_ =	sdelay $0x4  }
0x80: {  	v2 =	vand.u32 @!p1 $0x3FFF, v1  }
0x81: {  	v1 =	vshrl.u32 @!p1 v1, $0xE;
	[tilespmem:$0x2820] =	vst @!p1 v2  }
0x82: {  	[tilespmem:$0x2920] =	vst @!p1 v1  }
0x83: {  	v1 =	vld @!p1 [tilespmem:s24+$0x130];
	_ =	sdelay $0x4  }
0x84: {  	v2 =	vand.u32 @!p1 $0x3FFF, v1  }
0x85: {  	v1 =	vshrl.u32 @!p1 v1, $0xE;
	[tilespmem:$0x2830] =	vst @!p1 v2  }
0x86: {  	[tilespmem:$0x2930] =	vst @!p1 v1  }
0x87: {  	v1 =	vld @!p1 [tilespmem:s24+$0x140];
	_ =	sdelay $0x4  }
0x88: {  	v2 =	vand.u32 @!p1 $0x3FFF, v1  }
0x89: {  	v1 =	vshrl.u32 @!p1 v1, $0xE;
	[tilespmem:$0x2840] =	vst @!p1 v2  }
0x8a: {  	[tilespmem:$0x2940] =	vst @!p1 v1  }
0x8b: {  	v1 =	vld @!p1 [tilespmem:s24+$0x150];
	_ =	sdelay $0x4  }
0x8c: {  	v2 =	vand.u32 @!p1 $0x3FFF, v1  }
0x8d: {  	v1 =	vshrl.u32 @!p1 v1, $0xE;
	[tilespmem:$0x2850] =	vst @!p1 v2  }
0x8e: {  	[tilespmem:$0x2950] =	vst @!p1 v1  }
0x8f: {  	v1 =	vld @!p1 [tilespmem:s24+$0x160];
	_ =	sdelay $0x4  }
0x90: {  	s23 =	simm.s32 $0x400;
	v2 =	vand.u32 @!p1 $0x3FFF, v1  }
0x91: {  	s26 =	simm.s32 @!p1 $0x80;
	s28 =	simm.s32 @!p1 $0x2800;
	s29 =	simm.s32 @!p1 $0x2A00;
	v1 =	vshrl.u32 @!p1 v1, $0xE;
	[tilespmem:$0x2860] =	vst @!p1 v2  }
.LBB2_4:
0x92: {  	[tilespmem:$0x2960] =	vst @!p1 v1;
	s25 =	smov.u32 s23;
	s23 =	sadd.s32 $0x400, s23  }
0x93: {  	p0 =	sne.s32 s23, $0xA000;
	v1 =	vld @!p1 [tilespmem:s24+$0x170];
	_ =	sdelay $0x4  }
0x94: {  	v2 =	vand.u32 @!p1 $0x3FFF, v1;
	v1 =	vshrl.u32 @!p1 v1, $0xE  }
0x95: {  	[tilespmem:$0x2870] =	vst @!p1 v2  }
0x96: {  	[tilespmem:$0x2970] =	vst @!p1 v1  }
0x97: {  	[tilespmem:s29], [sflag:$0x1] =	stream.indirect.gather @!p1 [hbm4b:s4+s26], $0x80, s28, s26, $0xb8;
	[tilespmem:$0x1EA00] =	vst v63  }
0x98: {  	_ =	swait.ge [sflag:s21], $0x4000  }
0x99: {  	[sflag:s21] =	ssyncset.done $0x0  }
0x9a: {  	[sflag:s21] =	ssyncadd.s32 $0xFFFFC000  }
0x9b: {  	[spmem:s2] =	stream.indirect.scatter.add.f32 [tilespmem:s18], [sflag:$0x3], $0x80, s22, s15, $0xb8;
	[tilespmem:$0x1EA00] =	vst v63  }
0x9c: {  	_ =	swait.ge [sflag:s14], $0x4000  }
0x9d: {  	[sflag:s14] =	ssyncset.done $0x0  }
0x9e: {  	s24 =	sshra.s32 s25, $0x2;
	[sflag:s14] =	ssyncadd.s32 $0xFFFFC000  }
0x9f: {  	v1 =	vld [tilespmem:s24+$0x80];
	_ =	sdelay $0x4  }
0xa0: {  	v2 =	vand.u32 $0x3FFF, v1;
	v1 =	vshrl.u32 v1, $0xE  }
0xa1: {  	[tilespmem:$0x2880] =	vst v2  }
0xa2: {  	[tilespmem:$0x2980] =	vst v1  }
0xa3: {  	v1 =	vld [tilespmem:s24+$0x90];
	_ =	sdelay $0x4  }
0xa4: {  	v2 =	vand.u32 $0x3FFF, v1;
	v1 =	vshrl.u32 v1, $0xE  }
0xa5: {  	[tilespmem:$0x2890] =	vst v2  }
0xa6: {  	[tilespmem:$0x2990] =	vst v1  }
0xa7: {  	v1 =	vld [tilespmem:s24+$0xA0];
	_ =	sdelay $0x4  }
0xa8: {  	v2 =	vand.u32 $0x3FFF, v1;
	v1 =	vshrl.u32 v1, $0xE  }
0xa9: {  	[tilespmem:$0x28A0] =	vst v2  }
0xaa: {  	[tilespmem:$0x29A0] =	vst v1  }
0xab: {  	v1 =	vld [tilespmem:s24+$0xB0];
	_ =	sdelay $0x4  }
0xac: {  	v2 =	vand.u32 $0x3FFF, v1;
	v1 =	vshrl.u32 v1, $0xE  }
0xad: {  	[tilespmem:$0x28B0] =	vst v2  }
0xae: {  	[tilespmem:$0x29B0] =	vst v1  }
0xaf: {  	v1 =	vld [tilespmem:s24+$0xC0];
	_ =	sdelay $0x4  }
0xb0: {  	v2 =	vand.u32 $0x3FFF, v1;
	v1 =	vshrl.u32 v1, $0xE  }
0xb1: {  	[tilespmem:$0x28C0] =	vst v2  }
0xb2: {  	[tilespmem:$0x29C0] =	vst v1  }
0xb3: {  	v1 =	vld [tilespmem:s24+$0xD0];
	_ =	sdelay $0x4  }
0xb4: {  	v2 =	vand.u32 $0x3FFF, v1;
	v1 =	vshrl.u32 v1, $0xE  }
0xb5: {  	[tilespmem:$0x28D0] =	vst v2  }
0xb6: {  	[tilespmem:$0x29D0] =	vst v1  }
0xb7: {  	v1 =	vld [tilespmem:s24+$0xE0];
	_ =	sdelay $0x4  }
0xb8: {  	v2 =	vand.u32 $0x3FFF, v1;
	v1 =	vshrl.u32 v1, $0xE  }
0xb9: {  	[tilespmem:$0x28E0] =	vst v2  }
0xba: {  	[tilespmem:$0x29E0] =	vst v1  }
0xbb: {  	v1 =	vld [tilespmem:s24+$0xF0];
	_ =	sdelay $0x4  }
0xbc: {  	v2 =	vand.u32 $0x3FFF, v1;
	v1 =	vshrl.u32 v1, $0xE  }
0xbd: {  	p1 =	seq.s32 s25, $0x9C00;
	[tilespmem:$0x28F0] =	vst v2  }
0xbe: {  	s24 =	sshra.s32 @!p1 s25, $0x2;
	[tilespmem:$0x29F0] =	vst v1  }
0xbf: {  	[tilespmem:s18], [sflag:$0x2] =	stream.indirect.gather [hbm4b:s4+s15], $0x80, s17, s15, $0xb8;
	[tilespmem:$0x1EA00] =	vst v63  }
0xc0: {  	_ =	swait.ge [sflag:s19], $0x4000  }
0xc1: {  	[sflag:s19] =	ssyncset.done $0x0  }
0xc2: {  	[sflag:s19] =	ssyncadd.s32 $0xFFFFC000  }
0xc3: {  	[spmem:s2] =	stream.indirect.scatter.add.f32 [tilespmem:s13], [sflag:$0x3], $0x80, s20, s15, $0xb8;
	[tilespmem:$0x1EA00] =	vst v63  }
0xc4: {  	_ =	swait.ge [sflag:s14], $0x4000  }
0xc5: {  	[sflag:s14] =	ssyncset.done $0x0  }
0xc6: {  	[sflag:s14] =	ssyncadd.s32 $0xFFFFC000  }
0xc7: {  	v1 =	vld @!p1 [tilespmem:s24+$0x100];
	_ =	sdelay $0x4  }
0xc8: {  	v2 =	vand.u32 @!p1 $0x3FFF, v1;
	v1 =	vshrl.u32 @!p1 v1, $0xE  }
0xc9: {  	[tilespmem:$0x2800] =	vst @!p1 v2  }
0xca: {  	[tilespmem:$0x2900] =	vst @!p1 v1  }
0xcb: {  	v1 =	vld @!p1 [tilespmem:s24+$0x110];
	_ =	sdelay $0x4  }
0xcc: {  	v2 =	vand.u32 @!p1 $0x3FFF, v1;
	v1 =	vshrl.u32 @!p1 v1, $0xE  }
0xcd: {  	[tilespmem:$0x2810] =	vst @!p1 v2  }
0xce: {  	[tilespmem:$0x2910] =	vst @!p1 v1  }
0xcf: {  	v1 =	vld @!p1 [tilespmem:s24+$0x120];
	_ =	sdelay $0x4  }
0xd0: {  	v2 =	vand.u32 @!p1 $0x3FFF, v1;
	v1 =	vshrl.u32 @!p1 v1, $0xE  }
0xd1: {  	[tilespmem:$0x2820] =	vst @!p1 v2  }
0xd2: {  	[tilespmem:$0x2920] =	vst @!p1 v1  }
0xd3: {  	v1 =	vld @!p1 [tilespmem:s24+$0x130];
	_ =	sdelay $0x4  }
0xd4: {  	v2 =	vand.u32 @!p1 $0x3FFF, v1;
	v1 =	vshrl.u32 @!p1 v1, $0xE  }
0xd5: {  	[tilespmem:$0x2830] =	vst @!p1 v2  }
0xd6: {  	[tilespmem:$0x2930] =	vst @!p1 v1  }
0xd7: {  	v1 =	vld @!p1 [tilespmem:s24+$0x140];
	_ =	sdelay $0x4  }
0xd8: {  	v2 =	vand.u32 @!p1 $0x3FFF, v1;
	v1 =	vshrl.u32 @!p1 v1, $0xE  }
0xd9: {  	[tilespmem:$0x2840] =	vst @!p1 v2  }
0xda: {  	[tilespmem:$0x2940] =	vst @!p1 v1  }
0xdb: {  	v1 =	vld @!p1 [tilespmem:s24+$0x150];
	_ =	sdelay $0x4  }
0xdc: {  	v2 =	vand.u32 @!p1 $0x3FFF, v1;
	v1 =	vshrl.u32 @!p1 v1, $0xE  }
0xdd: {  	[tilespmem:$0x2850] =	vst @!p1 v2  }
0xde: {  	s26 =	simm.s32 @!p1 $0x80;
	s28 =	simm.s32 @!p1 $0x2800;
	s29 =	simm.s32 @!p1 $0x2A00;
	[tilespmem:$0x2950] =	vst @!p1 v1  }
0xdf: {  	v1 =	vld @!p1 [tilespmem:s24+$0x160];
	_ =	sdelay $0x1  }
.Ltmp1:
0xe0: {  	(pc) =	sbr.rel @p0 .LBB2_4-.Ltmp1, $3  }
0xe1: {  	_ =	sdelay $0x1  }
0xe2: {  	v2 =	vand.u32 @!p1 $0x3FFF, v1;
	v1 =	vshrl.u32 @!p1 v1, $0xE  }
0xe3: {  	[tilespmem:$0x2860] =	vst @!p1 v2  }
0xe4: {  	[tilespmem:$0x2960] =	vst @!p1 v1  }
0xe5: {  	v1 =	vld @!p1 [tilespmem:s24+$0x170];
	_ =	sdelay $0x4  }
0xe6: {  	v2 =	vand.u32 @!p1 $0x3FFF, v1  }
0xe7: {  	v1 =	vshrl.u32 @!p1 v1, $0xE;
	[tilespmem:$0x2870] =	vst @!p1 v2  }
0xe8: {  	[tilespmem:$0x2970] =	vst @!p1 v1  }
0xe9: {  	[tilespmem:s29], [sflag:$0x1] =	stream.indirect.gather @!p1 [hbm4b:s4+s26], $0x80, s28, s26, $0xb8;
	[tilespmem:$0x1EA00] =	vst v63  }
0xea: {  	_ =	swait.ge [sflag:s21], $0x4000  }
0xeb: {  	[sflag:s21] =	ssyncset.done $0x0  }
0xec: {  	[sflag:s21] =	ssyncadd.s32 $0xFFFFC000  }
0xed: {  	[spmem:s2] =	stream.indirect.scatter.add.f32 [tilespmem:s18], [sflag:$0x3], $0x80, s22, s15, $0xb8;
	[tilespmem:$0x1EA00] =	vst v63  }
0xee: {  	_ =	swait.ge [sflag:s14], $0x4000  }
0xef: {  	s23 =	sshll.u32 s0, $0x6;
	s3 =	sadd.s32 $0x1, s3;
	[sflag:s14] =	ssyncset.done $0x0  }
0xf0: {  	s31 =	sshrl.u32 s5, $0x3;
	p0 =	sne.s32 s3, s12;
	[sflag:s14] =	ssyncadd.s32 $0xFFFFC000  }
.Ltmp2:
0xf1: {  	s23 =	sor.u32 $0x1C03, s23;
	[bflag:$0x0] =	sbarrier.arrive $0xFFFF;
	(pc) =	sbr.rel @p0 .LBB2_1-.Ltmp2, $4  }
0xf2: {  	[hbm:s11], [sflag:s23] =	dma.local [spmem:s31], $0x2800  }
0xf3: {  	_ =	swait.ge [sflag:s14], $0x2800  }
0xf4: {  	[sflag:s14] =	ssyncset.done $0x0  }
0xf5: {  	[sflag:s14] =	ssyncadd.s32 $0xFFFFD800  }
0xf6: {  	_ =	sfence.sel $0x180000  }
0xf7: {  	[bflag:$0x0] =	sbarrier.arrive $0xFFFF  }
0xf8: {  	p0 =	sne.s32 s0, $0x0;
	_ =	strace $0x9000004A  }
0xf9: {  	s0 =	sadd.s32 @!p0 $0x100000, s1;
	[bflag:$0x2] =	sbarrier.arrive $0xFFFF  }
0xfa: {  	[sflag:s0] =	ssyncadd.tile.s32 @!p0 $0x1;
	_ =	shalt  }
.Lfunc_end2:
_tile_overlayer_lowered:
.L_overlay_start_2:
0xfb: {  	(tag) =	ssettag $0x2  }
0xfc: {  	s0 =	rddreg [dreg:$0x0];
	s2 =	stileid.u32  }
0xfd: {  	s1 =	rddreg [dreg:$0x1];
	p0 =	sne.s32 s2, $0x0  }
0xfe: {  	s3 =	rddreg [dreg:$0x2];
	[bflag:$0x3] =	sbarrier.arrive $0xFFFF;
	s2 =	simm.s32 @!p0 $0x1C03  }
0xff: {  	[timem:s3], [sflag:s2] =	dma.local @!p0 [hbm:s0], s1  }
0x100: {  	s0 =	simm.s32 @!p0 $0x3  }
0x101: {  	_ =	swait.ge @!p0 [sflag:s0], s1  }
0x102: {  	s1 =	ssub.s32 @!p0 $0x0, s1;
	[sflag:s0] =	ssyncset.done @!p0 $0x0  }
0x103: {  	[sflag:s0] =	ssyncadd.s32 @!p0 s1  }
0x104: {  	[bflag:$0x3] =	sbarrier.arrive $0xFFFF  }
0x105: {  	_ =	shalt  }

// kernel: kernel.14.cloned.1.call-start
scs
__scs_entry_jumppad:
0x0: {  	(pc) =	sbr.rel $0x88, $3  }
0x1: {  	(tag) =	ssettag $0x0;
	lr =	simm.s32 $0x1  }
0x2: {  	[smem:$0x3F9B] =	sst lr;
	_ =	strace $0xD0000000  }
0x3: {  	_ = 	snop  }
0x4: {  	_ = 	snop  }
0x5: {  	_ = 	snop  }
0x6: {  	_ = 	snop  }
0x7: {  	_ = 	snop  }
__scs_overlays_trampoline_lowered:
0x8: {  	[smem:$0x3FAA] =	sst s0  }
0x9: {  	[smem:$0x3FAB] =	sst s1  }
0xa: {  	[smem:$0x3FAC] =	sst s2  }
0xb: {  	[smem:$0x3FAD] =	sst s3  }
0xc: {  	[smem:$0x3FAE] =	sst s4  }
0xd: {  	[smem:$0x3FAF] =	sst s5  }
0xe: {  	[smem:$0x3FB0] =	sst s6  }
0xf: {  	[smem:$0x3FB1] =	sst s7  }
0x10: {  	[smem:$0x3FB2] =	sst s8  }
0x11: {  	[smem:$0x3FB3] =	sst s9;
	s0 =	simm.s32 @!p0 $0x0  }
0x12: {  	s1 =	sld [smem:$0x3F99];
	s0 =	simm.s32 @p0 $0x1  }
0x13: {  	[smem:$0x3FB4] =	sst s0;
	s0 =	simm.s32 @!p1 $0x0  }
0x14: {  	s2 =	sld [smem:$0x3F98];
	s0 =	simm.s32 @p1 $0x1  }
0x15: {  	[smem:$0x3FB5] =	sst s0;
	s0 =	simm.s32 @!p2 $0x0  }
0x16: {  	s3 =	sld [smem:$0x3FDB];
	s0 =	simm.s32 @p2 $0x1  }
0x17: {  	s4 =	simm.s32 $0x1BF5;
	[smem:$0x3FB7] =	sst s0  }
0x18: {  	s0 =	sld [smem:$0x3F9A];
	_ =	swait.ge [sflag:s4], $0x0  }
0x19: {  	s7 =	sld [smem:$0x3F9B]  }
0x1a: {  	s8 =	sadd.s32 $0xFFFFE003, lr  }
0x1b: {  	s9 =	sadd.s32 $0xFFFFFEF7, lr;
	s5 =	simm.s32 $0xFFFFFFFF;
	p2 =	slt.u32 s8, $0xFFFFF086  }
0x1c: {  	p1 =	slt.u32 s9, $0xF7A;
	s5 =	simm.s32 @!p2 $0x0  }
0x1d: {  	s5 =	simm.s32 @p1 $0x1;
	p0 =	seq.s32 s7, s2  }
0x1e: {  	s7 =	smul.u32 @!p0 $0xF7A, s2;
	p2 =	seq.s32 @!p0 s5, $0x0  }
0x1f: {  	s9 =	smul.u32 $0xF7A, s1;
	s8 =	simm.s32 @!p0 $0x1BF5;
	p2 =	por !p2, p0  }
0x20: {  	[sflag:s8] =	ssyncset.s32 @!p0 $0xFFFFF086;
	s6 =	sadd.s32 @!p0 s3, s7;
	s7 =	simm.s32 @!p0 $0x108  }
0x21: {  	s3 =	sadd.s32 s3, s9;
	s6 =	sadd.s32 @!p0 $0x88, s6;
	s7 =	simm.s32 @p2 $0x1082  }
0x22: {  	[simem:s7], [sflag:s8] =	dma.local @!p0 [hbm:s6], $0xF7A  }
0x23: {  	s9 =	sor.u32 $0xD0000000, s2;
	s6 =	simm.s32 $0x108;
	_ =	swait.ge @!p0 [sflag:s8], $0x0  }
0x24: {  	s3 =	sadd.s32 $0x88, s3;
	s6 =	simm.s32 @!p1 $0x1082;
	[sflag:s4] =	ssyncset.s32 $0xFFFFF086  }
0x25: {  	[simem:s6], [sflag:s4] =	dma.local [hbm:s3], $0xF7A  }
0x26: {  	[smem:$0x3F9B] =	sst s1;
	(tag) =	ssettag s2;
	_ =	strace s9  }
0x27: {  	s1 =	sld [smem:$0x3FAB]  }
0x28: {  	s2 =	sld [smem:$0x3FAC]  }
0x29: {  	s4 =	sld [smem:$0x3FAE]  }
0x2a: {  	p0 =	seq.s32 s5, $0x0;
	s5 =	sld [smem:$0x3FAF]  }
0x2b: {  	s6 =	sld [smem:$0x3FB0]  }
0x2c: {  	s7 =	sld [smem:$0x3FB1]  }
0x2d: {  	s3 =	simm.s32 $0x108;
	s8 =	sld [smem:$0x3FB2]  }
0x2e: {  	s3 =	simm.s32 @!p0 $0x1082;
	s9 =	sld [smem:$0x3FB3]  }
0x2f: {  	lr =	sadd.s32 s0, s3;
	s0 =	sld [smem:$0x3FAA]  }
0x30: {  	s3 =	sld [smem:$0x3FAD]  }
0x31: {  	[smem:$0x3FB6] =	sst s10  }
0x32: {  	s10 =	sld [smem:$0x3FB4];
	_ =	sdelay $0x3  }
0x33: {  	p0 =	seq.s32 s10, $0x1;
	s10 =	sld [smem:$0x3FB6];
	_ =	sdelay $0x3  }
0x34: {  	[smem:$0x3FB6] =	sst s10  }
0x35: {  	s10 =	sld [smem:$0x3FB5];
	_ =	sdelay $0x3  }
0x36: {  	p1 =	seq.s32 s10, $0x1;
	s10 =	sld [smem:$0x3FB6];
	_ =	sdelay $0x3  }
0x37: {  	[smem:$0x3FB6] =	sst s10  }
0x38: {  	s10 =	sld [smem:$0x3FB7]  }
0x39: {  	_ = 	snop;
	(pc) =	sbr.ind lr, $3  }
0x3a: {  	_ = 	snop  }
0x3b: {  	_ = 	snop  }
0x3c: {  	p2 =	seq.s32 s10, $0x1;
	s10 =	sld [smem:$0x3FB6]  }
0x3d: {  	_ =	shalt  }
0x3e: {  	_ =	shalt  }
0x3f: {  	_ =	shalt  }
0x40: {  	_ =	shalt  }
0x41: {  	_ =	shalt  }
0x42: {  	_ =	shalt  }
0x43: {  	_ =	shalt  }
0x44: {  	_ =	shalt  }
0x45: {  	_ =	shalt  }
0x46: {  	_ =	shalt  }
0x47: {  	_ =	shalt  }
0x48: {  	_ =	shalt  }
0x49: {  	_ =	shalt  }
0x4a: {  	_ =	shalt  }
0x4b: {  	_ =	shalt  }
0x4c: {  	_ =	shalt  }
0x4d: {  	_ =	shalt  }
0x4e: {  	_ =	shalt  }
0x4f: {  	_ =	shalt  }
0x50: {  	_ =	shalt  }
0x51: {  	_ =	shalt  }
0x52: {  	_ =	shalt  }
0x53: {  	_ =	shalt  }
0x54: {  	_ =	shalt  }
0x55: {  	_ =	shalt  }
0x56: {  	_ =	shalt  }
0x57: {  	_ =	shalt  }
0x58: {  	_ =	shalt  }
0x59: {  	_ =	shalt  }
0x5a: {  	_ =	shalt  }
0x5b: {  	_ =	shalt  }
0x5c: {  	_ =	shalt  }
0x5d: {  	_ =	shalt  }
0x5e: {  	_ =	shalt  }
0x5f: {  	_ =	shalt  }
0x60: {  	_ =	shalt  }
0x61: {  	_ =	shalt  }
0x62: {  	_ =	shalt  }
0x63: {  	_ =	shalt  }
0x64: {  	_ =	shalt  }
0x65: {  	_ =	shalt  }
0x66: {  	_ =	shalt  }
0x67: {  	_ =	shalt  }
0x68: {  	_ =	shalt  }
0x69: {  	_ =	shalt  }
0x6a: {  	_ =	shalt  }
0x6b: {  	_ =	shalt  }
0x6c: {  	_ =	shalt  }
0x6d: {  	_ =	shalt  }
0x6e: {  	_ =	shalt  }
0x6f: {  	_ =	shalt  }
0x70: {  	_ =	shalt  }
0x71: {  	_ =	shalt  }
0x72: {  	_ =	shalt  }
0x73: {  	_ =	shalt  }
0x74: {  	_ =	shalt  }
0x75: {  	_ =	shalt  }
0x76: {  	_ =	shalt  }
0x77: {  	_ =	shalt  }
0x78: {  	_ =	shalt  }
0x79: {  	_ =	shalt  }
0x7a: {  	_ =	shalt  }
0x7b: {  	_ =	shalt  }
0x7c: {  	_ =	shalt  }
0x7d: {  	_ =	shalt  }
0x7e: {  	_ =	shalt  }
0x7f: {  	_ =	shalt  }
0x80: {  	_ =	shalt  }
0x81: {  	_ =	shalt  }
0x82: {  	_ =	shalt  }
0x83: {  	_ =	shalt  }
0x84: {  	_ =	shalt  }
0x85: {  	_ =	shalt  }
0x86: {  	_ =	shalt  }
0x87: {  	_ =	shalt  }
.Lfunc_end0:
.L_simem_size_0:
called_computation.2_lowered:
.L_overlay_start_0:
0x88: {  	s2 =	sld [smem:$0x3FD9]  }
0x89: {  	s3 =	sld [smem:$0x3FFE];
	_ =	sdelay $0x1  }
0x8a: {  	s1 =	srdreg.scid  }
0x8b: {  	s0 =	sand.u32 $0x1, s1  }
0x8c: {  	s17 =	sshll.u32 s0, $0xA;
	s2 =	sadd.s32 s3, s2  }
0x8d: {  	s2 =	sadd.s32 s2, s17  }
0x8e: {  	[smem:$0x3FC2] =	sst s2  }
0x8f: {  	_ = 	snop  }
0x90: {  	s2 =	sld [smem:$0x3FD0];
	(tm) =	ssettm $0x1  }
0x91: {  	s18 =	sld [smem:$0x3FFB];
	_ =	sdelay $0x3  }
0x92: {  	_ =	strace s18  }
0x93: {  	s3 =	sld [smem:$0x3FFC];
	_ =	sdelay $0x3  }
0x94: {  	_ =	strace s3  }
0x95: {  	s3 =	sld [smem:$0x3FFD];
	_ =	sdelay $0x3  }
0x96: {  	_ =	strace s3  }
0x97: {  	_ =	strace $0x8FFFFFFF  }
0x98: {  	s19 =	sld [smem:$0x3FDB];
	_ =	sdelay $0x1  }
0x99: {  	s4 =	simm.s32 $_scs_section_size  }
0x9a: {  	s5 =	simm.s32 $_size__tile_overlayer_lowered;
	s6 =	simm.s32 $_tile_overlayer_lowered  }
0x9b: {  	s22 =	simm.s32 $0x1BFF;
	s21 =	sshll.u32 s6, $0x1;
	s3 =	sadd.s32 s4, s19  }
0x9c: {  	s7 =	simm.s32 $0x0;
	s20 =	sshll.u32 s5, $0x1;
	s5 =	sadd.s32 s21, s3  }
0x9d: {  	[timem:s7], [sflag:s22] =	dma.local [hbm:s5], s20  }
0x9e: {  	_ =	swait.ge [sflag:s22], s20  }
0x9f: {  	s4 =	ssub.s32 $0x0, s20;
	[sflag:s22] =	ssyncset.done $0x0  }
0xa0: {  	[sflag:s22] =	ssyncadd.s32 s4;
	_ =	sdelay $0x1  }
0xa1: {  	s23 =	simm.s32 $0x1B8B  }
0xa2: {  	_ =	swait.ge [sflag:s23], $0x1  }
0xa3: {  	[sflag:s23] =	ssyncset.done $0x0  }
0xa4: {  	s25 =	simm.s32 $0x1B8E;
	s24 =	sld [smem:$0x3FFE];
	[sflag:s23] =	ssyncadd.s32 $0xFFFFFFFF  }
0xa5: {  	s26 =	simm.s32 $execute0_lowered;
	[smem:$0x3FD2] =	sst s25  }
0xa6: {  	s5 =	sshll.u32 s26, $0x1;
	_ =	strace $0x8000004C;
	[dreg:$0x1] =	wrdreg $0xFFFFFFFF  }
0xa7: {  	s28 =	simm.s32 $_size_execute0_lowered;
	s3 =	sadd.s32 s3, s5;
	[dreg:$0x0] =	wrdreg $0x0  }
0xa8: {  	s5 =	sshll.u32 s28, $0x1;
	[dreg:$0x2] =	wrdreg s3  }
0xa9: {  	[dreg:$0x3] =	wrdreg s5  }
0xaa: {  	[dreg:$0x4] =	wrdreg $0xC0  }
0xab: {  	_ =	task [dreg:s7], $0x5FFFF  }
0xac: {  	[dreg:$0x1] =	wrdreg $0xFFFFFFFF  }
0xad: {  	[dreg:$0x0] =	wrdreg $0x60  }
0xae: {  	[dreg:$0x2] =	wrdreg s2  }
0xaf: {  	[dreg:$0x3] =	wrdreg s24  }
0xb0: {  	[dreg:$0x4] =	wrdreg $0x6A000  }
0xb1: {  	[dreg:$0x5] =	wrdreg $0x9  }
0xb2: {  	_ =	task.clear_ibuf [dreg:s7], $0x6FFFF;
	_ =	strace $0x9000004C  }
0xb3: {  	s29 =	simm.s32 $0x9;
	_ =	strace $0x8000004E  }
0xb4: {  	_ =	swait.ge [sflag:s29], $0x1  }
0xb5: {  	[sflag:s29] =	ssyncadd.s32 $0xFFFFFFFF  }
0xb6: {  	_ =	strace $0x9000004E  }
0xb7: {  	_ =	sfence  }
0xb8: {  	s30 =	sld [smem:$0x0];
	_ =	sdelay $0x2  }
0xb9: {  	s31 =	sshll.u32 s1, $0xD;
	s1 =	sshrl.u32 s1, $0x2  }
0xba: {  	s3 =	sand.u32 $0x4000, s31;
	s1 =	sadd.s32 s1, s30  }
0xbb: {  	s0 =	sor.u32 s3, s0;
	s1 =	sshll.u32 s1, $0x11  }
0xbc: {  	s0 =	sor.u32 s1, s0  }
0xbd: {  	s0 =	sadd.s32 $0x8F2B, s0  }
0xbe: {  	[sflag:s0] =	ssyncadd.remote.s32 $0x1  }
0xbf: {  	_ =	sfence.sel $0xFFFF  }
0xc0: {  	[dreg:$0x0] =	wrdreg $0xFFFFFFFF;
	(pc) =	sbr.abs _section_cstart, $3  }
0xc1: {  	[dreg:$0x1] =	wrdreg $0xFFFFFFFF  }
0xc2: {  	_ =	task.clear_ibuf [dreg:s7], $0x2FFFF;
	_ =	strace $0x9FFFFFFF  }
0xc3: {  	(tm) =	ssettm $0x7FFFFFFF  }
tec
execute0_lowered:
.L_overlay_start_1:
0x0: {  	(tag) =	ssettag $0x1  }
0x1: {  	s2 =	srdreg.scid;
	s1 =	rddreg [dreg:$0x0]  }
0x2: {  	s0 =	stileid.u32;
	s6 =	rddreg [dreg:$0x1]  }
0x3: {  	s3 =	rddreg [dreg:$0x2];
	s4 =	simm.s32 $0x0;
	s14 =	simm.s32 $0x3  }
0x4: {  	s15 =	simm.s32 $0x80;
	s16 =	simm.s32 $0x2800;
	s17 =	simm.s32 $0x2880  }
0x5: {  	s18 =	simm.s32 $0x4A00;
	s19 =	simm.s32 $0x1;
	s20 =	simm.s32 $0x2900  }
0x6: {  	s21 =	simm.s32 $0x2;
	s22 =	simm.s32 $0x2980;
	s8 =	smul.u32 $0xA000, s0  }
0x7: {  	s5 =	sand.u32 $0x1, s2;
	s28 =	sshll.u32 s0, $0x1;
	s10 =	smul.u32 $0x28000, s0  }
0x8: {  	[smem:$0x7FF] =	sst s4;
	s2 =	sor.u32 s5, s28;
	s9 =	smul.u32 $0xA0000, s5  }
0x9: {  	s5 =	ssub.s32 $0x2, s5;
	s7 =	smul.u32 $0x500, s2;
	s2 =	rddreg [dreg:$0x3]  }
0xa: {  	_ =	strace $0x8000004D;
	s30 =	sshrl.u32 s5, $0x1;
	s10 =	sshrl.u32 s10, $0x2  }
0xb: {  	s29 =	sadd.s32 s8, s9;
	s13 =	ssub.s32 s5, s30;
	s31 =	sadd.s32 s10, s3  }
0xc: {  	s5 =	sadd.s32 s8, s3;
	s11 =	sadd.s32 s7, s6;
	s7 =	sshrl.u32 s29, $0x3  }
0xd: {  	s8 =	sadd.s32 $0x6000, s31;
	s9 =	sadd.s32 $0x8000, s31;
	s12 =	sadd.s32 s7, s6  }
0xe: {  	s6 =	sadd.s32 $0x2000, s31;
	s7 =	sadd.s32 $0x4000, s31;
	s10 =	sadd.s32 $0x2400, s11  }
0xf: {  	v0 =	vimm.f32 $0.0e+00;
	s11 =	sadd.s32 $0x5C400, s12;
	s12 =	smax.u32 s13, $0x1;
	s13 =	simm.s32 $0x2A00  }
.LBB2_1:
0x10: {  	s24 =	simm.s32 $0x100;
	s23 =	simm.s32 $0x0  }
.LBB2_2:
0x11: {  	p0 =	sne.s32 s24, $0x7F00;
	[tilespmem:s23+$0x2A30] =	vst v0;
	s25 =	smov.u32 s24;
	s24 =	sadd.s32 $0x100, s24  }
.Ltmp0:
0x12: {  	[tilespmem:s23+$0x2A20] =	vst v0;
	(pc) =	sbr.rel @p0 .LBB2_2-.Ltmp0, $3  }
0x13: {  	[tilespmem:s23+$0x2A00] =	vst v0  }
0x14: {  	[tilespmem:s23+$0x2A10] =	vst v0;
	_ =	sdelay $0x1  }
0x15: {  	s23 =	sshra.s32 s25, $0x2  }
0x16: {  	[tilespmem:s23+$0x2A30] =	vst v0  }
0x17: {  	[tilespmem:s23+$0x2A20] =	vst v0  }
0x18: {  	[tilespmem:s23+$0x2A00] =	vst v0  }
0x19: {  	[tilespmem:s23+$0x2A10] =	vst v0  }
0x1a: {  	[spmem:s5] =	stream.linear.scatter [tilespmem:s13], [sflag:$0x3], $0x2000, $0x38;
	[tilespmem:$0x10A00] =	vst v63  }
0x1b: {  	_ =	swait.ge [sflag:s14], $0x2000  }
0x1c: {  	[sflag:s14] =	ssyncset.done $0x0  }
0x1d: {  	[sflag:s14] =	ssyncadd.s32 $0xFFFFE000  }
0x1e: {  	[spmem:s6] =	stream.linear.scatter [tilespmem:s13], [sflag:$0x3], $0x2000, $0x38;
	[tilespmem:$0x10A00] =	vst v63  }
0x1f: {  	_ =	swait.ge [sflag:s14], $0x2000  }
0x20: {  	[sflag:s14] =	ssyncset.done $0x0  }
0x21: {  	[sflag:s14] =	ssyncadd.s32 $0xFFFFE000  }
0x22: {  	[spmem:s7] =	stream.linear.scatter [tilespmem:s13], [sflag:$0x3], $0x2000, $0x38;
	[tilespmem:$0x10A00] =	vst v63  }
0x23: {  	_ =	swait.ge [sflag:s14], $0x2000  }
0x24: {  	[sflag:s14] =	ssyncset.done $0x0  }
0x25: {  	[sflag:s14] =	ssyncadd.s32 $0xFFFFE000  }
0x26: {  	[spmem:s8] =	stream.linear.scatter [tilespmem:s13], [sflag:$0x3], $0x2000, $0x38;
	[tilespmem:$0x10A00] =	vst v63  }
0x27: {  	_ =	swait.ge [sflag:s14], $0x2000  }
0x28: {  	[sflag:s14] =	ssyncset.done $0x0  }
0x29: {  	[sflag:s14] =	ssyncadd.s32 $0xFFFFE000  }
0x2a: {  	[spmem:s9] =	stream.linear.scatter [tilespmem:s13], [sflag:$0x3], $0x2000, $0x38;
	[tilespmem:$0x10A00] =	vst v63  }
0x2b: {  	_ =	swait.ge [sflag:s14], $0x2000  }
0x2c: {  	[sflag:s14] =	ssyncset.done $0x0  }
0x2d: {  	s30 =	simm.s32 $0x0;
	[sflag:s14] =	ssyncadd.s32 $0xFFFFE000  }
0x2e: {  	[tilespmem:s30], [sflag:$0x3] =	stream.linear.gather [hbm4b:s10+s30], $0x2800, $0x38;
	[tilespmem:$0x10A00] =	vst v63  }
0x2f: {  	_ =	swait.ge [sflag:s14], $0x2800  }
0x30: {  	[sflag:s14] =	ssyncset.done $0x0  }
0x31: {  	[sflag:s14] =	ssyncadd.s32 $0xFFFFD800  }
0x32: {  	[bflag:$0x0] =	sbarrier.arrive $0xFFFF  }
0x33: {  	v1 =	vld [tilespmem:$0x0];
	_ =	sdelay $0x1  }
0x34: {  	v2 =	vld [tilespmem:$0x10];
	_ =	sdelay $0x1  }
0x35: {  	v3 =	vld [tilespmem:$0x20]  }
0x36: {  	v4 =	vand.u32 $0x3FFF, v1  }
0x37: {  	v62 =	vld [tilespmem:$0x30];
	v1 =	vshrl.u32 v1, $0xE;
	[tilespmem:$0x2800] =	vst v4  }
0x38: {  	[tilespmem:$0x2900] =	vst v1;
	v1 =	vand.u32 $0x3FFF, v2  }
0x39: {  	[tilespmem:$0x2810] =	vst v1;
	v1 =	vshrl.u32 v2, $0xE;
	v2 =	vld [tilespmem:$0x40]  }
0x3a: {  	[tilespmem:$0x2910] =	vst v1;
	v1 =	vand.u32 $0x3FFF, v3  }
0x3b: {  	[tilespmem:$0x2820] =	vst v1;
	v1 =	vshrl.u32 v3, $0xE;
	v3 =	vld [tilespmem:$0x50]  }
0x3c: {  	[tilespmem:$0x2920] =	vst v1;
	v1 =	vand.u32 $0x3FFF, v62  }
0x3d: {  	v63 =	vld [tilespmem:$0x60];
	[tilespmem:$0x2830] =	vst v1;
	v1 =	vshrl.u32 v62, $0xE  }
0x3e: {  	[tilespmem:$0x2930] =	vst v1;
	v1 =	vand.u32 $0x3FFF, v2  }
0x3f: {  	[tilespmem:$0x2840] =	vst v1;
	v1 =	vshrl.u32 v2, $0xE;
	v2 =	vld [tilespmem:$0x70]  }
0x40: {  	[tilespmem:$0x2940] =	vst v1;
	v1 =	vand.u32 $0x3FFF, v3  }
0x41: {  	[tilespmem:$0x2850] =	vst v1;
	v1 =	vshrl.u32 v3, $0xE  }
0x42: {  	[tilespmem:$0x2950] =	vst v1;
	v1 =	vand.u32 $0x3FFF, v63  }
0x43: {  	[tilespmem:$0x2860] =	vst v1;
	v1 =	vshrl.u32 v63, $0xE  }
0x44: {  	[tilespmem:$0x2960] =	vst v1;
	v1 =	vand.u32 $0x3FFF, v2  }
0x45: {  	[tilespmem:$0x2870] =	vst v1;
	v1 =	vshrl.u32 v2, $0xE  }
0x46: {  	s31 =	simm.s32 $0x0;
	[tilespmem:$0x2970] =	vst v1  }
0x47: {  	[tilespmem:s13], [sflag:$0x1] =	stream.indirect.gather [hbm4b:s1+s15], $0x40, s16, s15, $0xb8;
	[tilespmem:$0x10A00] =	vst v63  }
0x48: {  	v1 =	vld [tilespmem:s31+$0x80];
	_ =	sdelay $0x4  }
0x49: {  	v2 =	vand.u32 $0x3FFF, v1  }
0x4a: {  	v1 =	vshrl.u32 v1, $0xE;
	[tilespmem:$0x2880] =	vst v2  }
0x4b: {  	[tilespmem:$0x2980] =	vst v1  }
0x4c: {  	v1 =	vld [tilespmem:s31+$0x90];
	_ =	sdelay $0x4  }
0x4d: {  	v2 =	vand.u32 $0x3FFF, v1  }
0x4e: {  	v1 =	vshrl.u32 v1, $0xE;
	[tilespmem:$0x2890] =	vst v2  }
0x4f: {  	[tilespmem:$0x2990] =	vst v1  }
0x50: {  	v1 =	vld [tilespmem:s31+$0xA0];
	_ =	sdelay $0x4  }
0x51: {  	v2 =	vand.u32 $0x3FFF, v1  }
0x52: {  	v1 =	vshrl.u32 v1, $0xE;
	[tilespmem:$0x28A0] =	vst v2  }
0x53: {  	[tilespmem:$0x29A0] =	vst v1  }
0x54: {  	v1 =	vld [tilespmem:s31+$0xB0];
	_ =	sdelay $0x4  }
0x55: {  	v2 =	vand.u32 $0x3FFF, v1  }
0x56: {  	v1 =	vshrl.u32 v1, $0xE;
	[tilespmem:$0x28B0] =	vst v2  }
0x57: {  	[tilespmem:$0x29B0] =	vst v1  }
0x58: {  	v1 =	vld [tilespmem:s31+$0xC0];
	_ =	sdelay $0x4  }
0x59: {  	v2 =	vand.u32 $0x3FFF, v1  }
0x5a: {  	v1 =	vshrl.u32 v1, $0xE;
	[tilespmem:$0x28C0] =	vst v2  }
0x5b: {  	[tilespmem:$0x29C0] =	vst v1  }
0x5c: {  	v1 =	vld [tilespmem:s31+$0xD0];
	_ =	sdelay $0x4  }
0x5d: {  	v2 =	vand.u32 $0x3FFF, v1  }
0x5e: {  	v1 =	vshrl.u32 v1, $0xE;
	[tilespmem:$0x28D0] =	vst v2  }
0x5f: {  	[tilespmem:$0x29D0] =	vst v1  }
0x60: {  	v1 =	vld [tilespmem:s31+$0xE0];
	_ =	sdelay $0x4  }
0x61: {  	v2 =	vand.u32 $0x3FFF, v1  }
0x62: {  	v1 =	vshrl.u32 v1, $0xE;
	[tilespmem:$0x28E0] =	vst v2  }
0x63: {  	[tilespmem:$0x29E0] =	vst v1  }
0x64: {  	v1 =	vld [tilespmem:s31+$0xF0];
	_ =	sdelay $0x4  }
0x65: {  	v2 =	vand.u32 $0x3FFF, v1  }
0x66: {  	v1 =	vshrl.u32 v1, $0xE;
	[tilespmem:$0x28F0] =	vst v2  }
0x67: {  	[tilespmem:$0x29F0] =	vst v1  }
0x68: {  	[tilespmem:s18], [sflag:$0x2] =	stream.indirect.gather [hbm4b:s1+s15], $0x40, s17, s15, $0xb8;
	[tilespmem:$0x10A00] =	vst v63  }
0x69: {  	_ =	swait.ge [sflag:s19], $0x2000  }
0x6a: {  	[sflag:s19] =	ssyncset.done $0x0  }
0x6b: {  	[sflag:s19] =	ssyncadd.s32 $0xFFFFE000  }
0x6c: {  	[spmem:s3] =	stream.indirect.scatter.add.f32 [tilespmem:s13], [sflag:$0x3], $0x40, s20, s15, $0xb8;
	[tilespmem:$0x10A00] =	vst v63  }
0x6d: {  	_ =	swait.ge [sflag:s14], $0x2000  }
0x6e: {  	p1 =	por $0x0, $0x0;
	[sflag:s14] =	ssyncset.done $0x0  }
0x6f: {  	s24 =	simm.s32 @!p1 $0x0;
	[sflag:s14] =	ssyncadd.s32 $0xFFFFE000  }
0x70: {  	v1 =	vld @!p1 [tilespmem:s24+$0x100];
	_ =	sdelay $0x4  }
0x71: {  	v2 =	vand.u32 @!p1 $0x3FFF, v1  }
0x72: {  	v1 =	vshrl.u32 @!p1 v1, $0xE;
	[tilespmem:$0x2800] =	vst @!p1 v2  }
0x73: {  	[tilespmem:$0x2900] =	vst @!p1 v1  }
0x74: {  	v1 =	vld @!p1 [tilespmem:s24+$0x110];
	_ =	sdelay $0x4  }
0x75: {  	v2 =	vand.u32 @!p1 $0x3FFF, v1  }
0x76: {  	v1 =	vshrl.u32 @!p1 v1, $0xE;
	[tilespmem:$0x2810] =	vst @!p1 v2  }
0x77: {  	[tilespmem:$0x2910] =	vst @!p1 v1  }
0x78: {  	v1 =	vld @!p1 [tilespmem:s24+$0x120];
	_ =	sdelay $0x4  }
0x79: {  	v2 =	vand.u32 @!p1 $0x3FFF, v1  }
0x7a: {  	v1 =	vshrl.u32 @!p1 v1, $0xE;
	[tilespmem:$0x2820] =	vst @!p1 v2  }
0x7b: {  	[tilespmem:$0x2920] =	vst @!p1 v1  }
0x7c: {  	v1 =	vld @!p1 [tilespmem:s24+$0x130];
	_ =	sdelay $0x4  }
0x7d: {  	v2 =	vand.u32 @!p1 $0x3FFF, v1  }
0x7e: {  	v1 =	vshrl.u32 @!p1 v1, $0xE;
	[tilespmem:$0x2830] =	vst @!p1 v2  }
0x7f: {  	[tilespmem:$0x2930] =	vst @!p1 v1  }
0x80: {  	v1 =	vld @!p1 [tilespmem:s24+$0x140];
	_ =	sdelay $0x4  }
0x81: {  	v2 =	vand.u32 @!p1 $0x3FFF, v1  }
0x82: {  	v1 =	vshrl.u32 @!p1 v1, $0xE;
	[tilespmem:$0x2840] =	vst @!p1 v2  }
0x83: {  	[tilespmem:$0x2940] =	vst @!p1 v1  }
0x84: {  	v1 =	vld @!p1 [tilespmem:s24+$0x150];
	_ =	sdelay $0x4  }
0x85: {  	v2 =	vand.u32 @!p1 $0x3FFF, v1  }
0x86: {  	v1 =	vshrl.u32 @!p1 v1, $0xE;
	[tilespmem:$0x2850] =	vst @!p1 v2  }
0x87: {  	[tilespmem:$0x2950] =	vst @!p1 v1  }
0x88: {  	v1 =	vld @!p1 [tilespmem:s24+$0x160];
	_ =	sdelay $0x4  }
0x89: {  	s23 =	simm.s32 $0x400;
	v2 =	vand.u32 @!p1 $0x3FFF, v1  }
0x8a: {  	s26 =	simm.s32 @!p1 $0x80;
	s28 =	simm.s32 @!p1 $0x2800;
	s29 =	simm.s32 @!p1 $0x2A00;
	v1 =	vshrl.u32 @!p1 v1, $0xE;
	[tilespmem:$0x2860] =	vst @!p1 v2  }
.LBB2_4:
0x8b: {  	[tilespmem:$0x2960] =	vst @!p1 v1;
	s25 =	smov.u32 s23;
	s23 =	sadd.s32 $0x400, s23  }
0x8c: {  	p0 =	sne.s32 s23, $0xA000;
	v1 =	vld @!p1 [tilespmem:s24+$0x170];
	_ =	sdelay $0x4  }
0x8d: {  	v2 =	vand.u32 @!p1 $0x3FFF, v1;
	v1 =	vshrl.u32 @!p1 v1, $0xE  }
0x8e: {  	[tilespmem:$0x2870] =	vst @!p1 v2  }
0x8f: {  	[tilespmem:$0x2970] =	vst @!p1 v1  }
0x90: {  	[tilespmem:s29], [sflag:$0x1] =	stream.indirect.gather @!p1 [hbm4b:s1+s26], $0x40, s28, s26, $0xb8;
	[tilespmem:$0x10A00] =	vst v63  }
0x91: {  	_ =	swait.ge [sflag:s21], $0x2000  }
0x92: {  	[sflag:s21] =	ssyncset.done $0x0  }
0x93: {  	[sflag:s21] =	ssyncadd.s32 $0xFFFFE000  }
0x94: {  	[spmem:s3] =	stream.indirect.scatter.add.f32 [tilespmem:s18], [sflag:$0x3], $0x40, s22, s15, $0xb8;
	[tilespmem:$0x10A00] =	vst v63  }
0x95: {  	_ =	swait.ge [sflag:s14], $0x2000  }
0x96: {  	[sflag:s14] =	ssyncset.done $0x0  }
0x97: {  	s24 =	sshra.s32 s25, $0x2;
	[sflag:s14] =	ssyncadd.s32 $0xFFFFE000  }
0x98: {  	v1 =	vld [tilespmem:s24+$0x80];
	_ =	sdelay $0x4  }
0x99: {  	v2 =	vand.u32 $0x3FFF, v1;
	v1 =	vshrl.u32 v1, $0xE  }
0x9a: {  	[tilespmem:$0x2880] =	vst v2  }
0x9b: {  	[tilespmem:$0x2980] =	vst v1  }
0x9c: {  	v1 =	vld [tilespmem:s24+$0x90];
	_ =	sdelay $0x4  }
0x9d: {  	v2 =	vand.u32 $0x3FFF, v1;
	v1 =	vshrl.u32 v1, $0xE  }
0x9e: {  	[tilespmem:$0x2890] =	vst v2  }
0x9f: {  	[tilespmem:$0x2990] =	vst v1  }
0xa0: {  	v1 =	vld [tilespmem:s24+$0xA0];
	_ =	sdelay $0x4  }
0xa1: {  	v2 =	vand.u32 $0x3FFF, v1;
	v1 =	vshrl.u32 v1, $0xE  }
0xa2: {  	[tilespmem:$0x28A0] =	vst v2  }
0xa3: {  	[tilespmem:$0x29A0] =	vst v1  }
0xa4: {  	v1 =	vld [tilespmem:s24+$0xB0];
	_ =	sdelay $0x4  }
0xa5: {  	v2 =	vand.u32 $0x3FFF, v1;
	v1 =	vshrl.u32 v1, $0xE  }
0xa6: {  	[tilespmem:$0x28B0] =	vst v2  }
0xa7: {  	[tilespmem:$0x29B0] =	vst v1  }
0xa8: {  	v1 =	vld [tilespmem:s24+$0xC0];
	_ =	sdelay $0x4  }
0xa9: {  	v2 =	vand.u32 $0x3FFF, v1;
	v1 =	vshrl.u32 v1, $0xE  }
0xaa: {  	[tilespmem:$0x28C0] =	vst v2  }
0xab: {  	[tilespmem:$0x29C0] =	vst v1  }
0xac: {  	v1 =	vld [tilespmem:s24+$0xD0];
	_ =	sdelay $0x4  }
0xad: {  	v2 =	vand.u32 $0x3FFF, v1;
	v1 =	vshrl.u32 v1, $0xE  }
0xae: {  	[tilespmem:$0x28D0] =	vst v2  }
0xaf: {  	[tilespmem:$0x29D0] =	vst v1  }
0xb0: {  	v1 =	vld [tilespmem:s24+$0xE0];
	_ =	sdelay $0x4  }
0xb1: {  	v2 =	vand.u32 $0x3FFF, v1;
	v1 =	vshrl.u32 v1, $0xE  }
0xb2: {  	[tilespmem:$0x28E0] =	vst v2  }
0xb3: {  	[tilespmem:$0x29E0] =	vst v1  }
0xb4: {  	v1 =	vld [tilespmem:s24+$0xF0];
	_ =	sdelay $0x4  }
0xb5: {  	v2 =	vand.u32 $0x3FFF, v1;
	v1 =	vshrl.u32 v1, $0xE  }
0xb6: {  	p1 =	seq.s32 s25, $0x9C00;
	[tilespmem:$0x28F0] =	vst v2  }
0xb7: {  	s24 =	sshra.s32 @!p1 s25, $0x2;
	[tilespmem:$0x29F0] =	vst v1  }
0xb8: {  	[tilespmem:s18], [sflag:$0x2] =	stream.indirect.gather [hbm4b:s1+s15], $0x40, s17, s15, $0xb8;
	[tilespmem:$0x10A00] =	vst v63  }
0xb9: {  	_ =	swait.ge [sflag:s19], $0x2000  }
0xba: {  	[sflag:s19] =	ssyncset.done $0x0  }
0xbb: {  	[sflag:s19] =	ssyncadd.s32 $0xFFFFE000  }
0xbc: {  	[spmem:s3] =	stream.indirect.scatter.add.f32 [tilespmem:s13], [sflag:$0x3], $0x40, s20, s15, $0xb8;
	[tilespmem:$0x10A00] =	vst v63  }
0xbd: {  	_ =	swait.ge [sflag:s14], $0x2000  }
0xbe: {  	[sflag:s14] =	ssyncset.done $0x0  }
0xbf: {  	[sflag:s14] =	ssyncadd.s32 $0xFFFFE000  }
0xc0: {  	v1 =	vld @!p1 [tilespmem:s24+$0x100];
	_ =	sdelay $0x4  }
0xc1: {  	v2 =	vand.u32 @!p1 $0x3FFF, v1;
	v1 =	vshrl.u32 @!p1 v1, $0xE  }
0xc2: {  	[tilespmem:$0x2800] =	vst @!p1 v2  }
0xc3: {  	[tilespmem:$0x2900] =	vst @!p1 v1  }
0xc4: {  	v1 =	vld @!p1 [tilespmem:s24+$0x110];
	_ =	sdelay $0x4  }
0xc5: {  	v2 =	vand.u32 @!p1 $0x3FFF, v1;
	v1 =	vshrl.u32 @!p1 v1, $0xE  }
0xc6: {  	[tilespmem:$0x2810] =	vst @!p1 v2  }
0xc7: {  	[tilespmem:$0x2910] =	vst @!p1 v1  }
0xc8: {  	v1 =	vld @!p1 [tilespmem:s24+$0x120];
	_ =	sdelay $0x4  }
0xc9: {  	v2 =	vand.u32 @!p1 $0x3FFF, v1;
	v1 =	vshrl.u32 @!p1 v1, $0xE  }
0xca: {  	[tilespmem:$0x2820] =	vst @!p1 v2  }
0xcb: {  	[tilespmem:$0x2920] =	vst @!p1 v1  }
0xcc: {  	v1 =	vld @!p1 [tilespmem:s24+$0x130];
	_ =	sdelay $0x4  }
0xcd: {  	v2 =	vand.u32 @!p1 $0x3FFF, v1;
	v1 =	vshrl.u32 @!p1 v1, $0xE  }
0xce: {  	[tilespmem:$0x2830] =	vst @!p1 v2  }
0xcf: {  	[tilespmem:$0x2930] =	vst @!p1 v1  }
0xd0: {  	v1 =	vld @!p1 [tilespmem:s24+$0x140];
	_ =	sdelay $0x4  }
0xd1: {  	v2 =	vand.u32 @!p1 $0x3FFF, v1;
	v1 =	vshrl.u32 @!p1 v1, $0xE  }
0xd2: {  	[tilespmem:$0x2840] =	vst @!p1 v2  }
0xd3: {  	[tilespmem:$0x2940] =	vst @!p1 v1  }
0xd4: {  	v1 =	vld @!p1 [tilespmem:s24+$0x150];
	_ =	sdelay $0x4  }
0xd5: {  	v2 =	vand.u32 @!p1 $0x3FFF, v1;
	v1 =	vshrl.u32 @!p1 v1, $0xE  }
0xd6: {  	[tilespmem:$0x2850] =	vst @!p1 v2  }
0xd7: {  	s26 =	simm.s32 @!p1 $0x80;
	s28 =	simm.s32 @!p1 $0x2800;
	s29 =	simm.s32 @!p1 $0x2A00;
	[tilespmem:$0x2950] =	vst @!p1 v1  }
0xd8: {  	v1 =	vld @!p1 [tilespmem:s24+$0x160];
	_ =	sdelay $0x1  }
.Ltmp1:
0xd9: {  	(pc) =	sbr.rel @p0 .LBB2_4-.Ltmp1, $3  }
0xda: {  	_ =	sdelay $0x1  }
0xdb: {  	v2 =	vand.u32 @!p1 $0x3FFF, v1;
	v1 =	vshrl.u32 @!p1 v1, $0xE  }
0xdc: {  	[tilespmem:$0x2860] =	vst @!p1 v2  }
0xdd: {  	[tilespmem:$0x2960] =	vst @!p1 v1  }
0xde: {  	v1 =	vld @!p1 [tilespmem:s24+$0x170];
	_ =	sdelay $0x4  }
0xdf: {  	v2 =	vand.u32 @!p1 $0x3FFF, v1  }
0xe0: {  	v1 =	vshrl.u32 @!p1 v1, $0xE;
	[tilespmem:$0x2870] =	vst @!p1 v2  }
0xe1: {  	[tilespmem:$0x2970] =	vst @!p1 v1  }
0xe2: {  	[tilespmem:s29], [sflag:$0x1] =	stream.indirect.gather @!p1 [hbm4b:s1+s26], $0x40, s28, s26, $0xb8;
	[tilespmem:$0x10A00] =	vst v63  }
0xe3: {  	_ =	swait.ge [sflag:s21], $0x2000  }
0xe4: {  	[sflag:s21] =	ssyncset.done $0x0  }
0xe5: {  	[sflag:s21] =	ssyncadd.s32 $0xFFFFE000  }
0xe6: {  	[spmem:s3] =	stream.indirect.scatter.add.f32 [tilespmem:s18], [sflag:$0x3], $0x40, s22, s15, $0xb8;
	[tilespmem:$0x10A00] =	vst v63  }
0xe7: {  	_ =	swait.ge [sflag:s14], $0x2000  }
0xe8: {  	s23 =	sshll.u32 s0, $0x6;
	s4 =	sadd.s32 $0x1, s4;
	[sflag:s14] =	ssyncset.done $0x0  }
0xe9: {  	s31 =	sshrl.u32 s5, $0x3;
	p0 =	sne.s32 s4, s12;
	[sflag:s14] =	ssyncadd.s32 $0xFFFFE000  }
.Ltmp2:
0xea: {  	s23 =	sor.u32 $0x1C03, s23;
	[bflag:$0x0] =	sbarrier.arrive $0xFFFF;
	(pc) =	sbr.rel @p0 .LBB2_1-.Ltmp2, $4  }
0xeb: {  	[hbm:s11], [sflag:s23] =	dma.local [spmem:s31], $0x1400  }
0xec: {  	_ =	swait.ge [sflag:s14], $0x1400  }
0xed: {  	[sflag:s14] =	ssyncset.done $0x0  }
0xee: {  	[sflag:s14] =	ssyncadd.s32 $0xFFFFEC00  }
0xef: {  	_ =	sfence.sel $0x180000  }
0xf0: {  	[bflag:$0x0] =	sbarrier.arrive $0xFFFF  }
0xf1: {  	p0 =	sne.s32 s0, $0x0;
	_ =	strace $0x9000004D  }
0xf2: {  	s0 =	sadd.s32 @!p0 $0x100000, s2;
	[bflag:$0x2] =	sbarrier.arrive $0xFFFF  }
0xf3: {  	[sflag:s0] =	ssyncadd.tile.s32 @!p0 $0x1;
	_ =	shalt  }
.Lfunc_end2:
_tile_overlayer_lowered:
.L_overlay_start_2:
0xf4: {  	(tag) =	ssettag $0x2  }
0xf5: {  	s0 =	rddreg [dreg:$0x0];
	s2 =	stileid.u32  }
0xf6: {  	s1 =	rddreg [dreg:$0x1];
	p0 =	sne.s32 s2, $0x0  }
0xf7: {  	s3 =	rddreg [dreg:$0x2];
	[bflag:$0x3] =	sbarrier.arrive $0xFFFF;
	s2 =	simm.s32 @!p0 $0x1C03  }
0xf8: {  	[timem:s3], [sflag:s2] =	dma.local @!p0 [hbm:s0], s1  }
0xf9: {  	s0 =	simm.s32 @!p0 $0x3  }
0xfa: {  	_ =	swait.ge @!p0 [sflag:s0], s1  }
0xfb: {  	s1 =	ssub.s32 @!p0 $0x0, s1;
	[sflag:s0] =	ssyncset.done @!p0 $0x0  }
0xfc: {  	[sflag:s0] =	ssyncadd.s32 @!p0 s1  }
0xfd: {  	[bflag:$0x3] =	sbarrier.arrive $0xFFFF  }
0xfe: {  	_ =	shalt  }

// kernel: kernel.8.cloned.1.call-start
scs
__scs_entry_jumppad:
0x0: {  	(pc) =	sbr.rel $0x88, $3  }
0x1: {  	(tag) =	ssettag $0x0;
	lr =	simm.s32 $0x1  }
0x2: {  	[smem:$0x3F9B] =	sst lr;
	_ =	strace $0xD0000000  }
0x3: {  	_ = 	snop  }
0x4: {  	_ = 	snop  }
0x5: {  	_ = 	snop  }
0x6: {  	_ = 	snop  }
0x7: {  	_ = 	snop  }
__scs_overlays_trampoline_lowered:
0x8: {  	[smem:$0x3FAA] =	sst s0  }
0x9: {  	[smem:$0x3FAB] =	sst s1  }
0xa: {  	[smem:$0x3FAC] =	sst s2  }
0xb: {  	[smem:$0x3FAD] =	sst s3  }
0xc: {  	[smem:$0x3FAE] =	sst s4  }
0xd: {  	[smem:$0x3FAF] =	sst s5  }
0xe: {  	[smem:$0x3FB0] =	sst s6  }
0xf: {  	[smem:$0x3FB1] =	sst s7  }
0x10: {  	[smem:$0x3FB2] =	sst s8  }
0x11: {  	[smem:$0x3FB3] =	sst s9;
	s0 =	simm.s32 @!p0 $0x0  }
0x12: {  	s1 =	sld [smem:$0x3F99];
	s0 =	simm.s32 @p0 $0x1  }
0x13: {  	[smem:$0x3FB4] =	sst s0;
	s0 =	simm.s32 @!p1 $0x0  }
0x14: {  	s2 =	sld [smem:$0x3F98];
	s0 =	simm.s32 @p1 $0x1  }
0x15: {  	[smem:$0x3FB5] =	sst s0;
	s0 =	simm.s32 @!p2 $0x0  }
0x16: {  	s3 =	sld [smem:$0x3FDB];
	s0 =	simm.s32 @p2 $0x1  }
0x17: {  	s4 =	simm.s32 $0x1BF5;
	[smem:$0x3FB7] =	sst s0  }
0x18: {  	s0 =	sld [smem:$0x3F9A];
	_ =	swait.ge [sflag:s4], $0x0  }
0x19: {  	s7 =	sld [smem:$0x3F9B]  }
0x1a: {  	s8 =	sadd.s32 $0xFFFFE003, lr  }
0x1b: {  	s9 =	sadd.s32 $0xFFFFFEF7, lr;
	s5 =	simm.s32 $0xFFFFFFFF;
	p2 =	slt.u32 s8, $0xFFFFF086  }
0x1c: {  	p1 =	slt.u32 s9, $0xF7A;
	s5 =	simm.s32 @!p2 $0x0  }
0x1d: {  	s5 =	simm.s32 @p1 $0x1;
	p0 =	seq.s32 s7, s2  }
0x1e: {  	s7 =	smul.u32 @!p0 $0xF7A, s2;
	p2 =	seq.s32 @!p0 s5, $0x0  }
0x1f: {  	s9 =	smul.u32 $0xF7A, s1;
	s8 =	simm.s32 @!p0 $0x1BF5;
	p2 =	por !p2, p0  }
0x20: {  	[sflag:s8] =	ssyncset.s32 @!p0 $0xFFFFF086;
	s6 =	sadd.s32 @!p0 s3, s7;
	s7 =	simm.s32 @!p0 $0x108  }
0x21: {  	s3 =	sadd.s32 s3, s9;
	s6 =	sadd.s32 @!p0 $0x88, s6;
	s7 =	simm.s32 @p2 $0x1082  }
0x22: {  	[simem:s7], [sflag:s8] =	dma.local @!p0 [hbm:s6], $0xF7A  }
0x23: {  	s9 =	sor.u32 $0xD0000000, s2;
	s6 =	simm.s32 $0x108;
	_ =	swait.ge @!p0 [sflag:s8], $0x0  }
0x24: {  	s3 =	sadd.s32 $0x88, s3;
	s6 =	simm.s32 @!p1 $0x1082;
	[sflag:s4] =	ssyncset.s32 $0xFFFFF086  }
0x25: {  	[simem:s6], [sflag:s4] =	dma.local [hbm:s3], $0xF7A  }
0x26: {  	[smem:$0x3F9B] =	sst s1;
	(tag) =	ssettag s2;
	_ =	strace s9  }
0x27: {  	s1 =	sld [smem:$0x3FAB]  }
0x28: {  	s2 =	sld [smem:$0x3FAC]  }
0x29: {  	s4 =	sld [smem:$0x3FAE]  }
0x2a: {  	p0 =	seq.s32 s5, $0x0;
	s5 =	sld [smem:$0x3FAF]  }
0x2b: {  	s6 =	sld [smem:$0x3FB0]  }
0x2c: {  	s7 =	sld [smem:$0x3FB1]  }
0x2d: {  	s3 =	simm.s32 $0x108;
	s8 =	sld [smem:$0x3FB2]  }
0x2e: {  	s3 =	simm.s32 @!p0 $0x1082;
	s9 =	sld [smem:$0x3FB3]  }
0x2f: {  	lr =	sadd.s32 s0, s3;
	s0 =	sld [smem:$0x3FAA]  }
0x30: {  	s3 =	sld [smem:$0x3FAD]  }
0x31: {  	[smem:$0x3FB6] =	sst s10  }
0x32: {  	s10 =	sld [smem:$0x3FB4];
	_ =	sdelay $0x3  }
0x33: {  	p0 =	seq.s32 s10, $0x1;
	s10 =	sld [smem:$0x3FB6];
	_ =	sdelay $0x3  }
0x34: {  	[smem:$0x3FB6] =	sst s10  }
0x35: {  	s10 =	sld [smem:$0x3FB5];
	_ =	sdelay $0x3  }
0x36: {  	p1 =	seq.s32 s10, $0x1;
	s10 =	sld [smem:$0x3FB6];
	_ =	sdelay $0x3  }
0x37: {  	[smem:$0x3FB6] =	sst s10  }
0x38: {  	s10 =	sld [smem:$0x3FB7]  }
0x39: {  	_ = 	snop;
	(pc) =	sbr.ind lr, $3  }
0x3a: {  	_ = 	snop  }
0x3b: {  	_ = 	snop  }
0x3c: {  	p2 =	seq.s32 s10, $0x1;
	s10 =	sld [smem:$0x3FB6]  }
0x3d: {  	_ =	shalt  }
0x3e: {  	_ =	shalt  }
0x3f: {  	_ =	shalt  }
0x40: {  	_ =	shalt  }
0x41: {  	_ =	shalt  }
0x42: {  	_ =	shalt  }
0x43: {  	_ =	shalt  }
0x44: {  	_ =	shalt  }
0x45: {  	_ =	shalt  }
0x46: {  	_ =	shalt  }
0x47: {  	_ =	shalt  }
0x48: {  	_ =	shalt  }
0x49: {  	_ =	shalt  }
0x4a: {  	_ =	shalt  }
0x4b: {  	_ =	shalt  }
0x4c: {  	_ =	shalt  }
0x4d: {  	_ =	shalt  }
0x4e: {  	_ =	shalt  }
0x4f: {  	_ =	shalt  }
0x50: {  	_ =	shalt  }
0x51: {  	_ =	shalt  }
0x52: {  	_ =	shalt  }
0x53: {  	_ =	shalt  }
0x54: {  	_ =	shalt  }
0x55: {  	_ =	shalt  }
0x56: {  	_ =	shalt  }
0x57: {  	_ =	shalt  }
0x58: {  	_ =	shalt  }
0x59: {  	_ =	shalt  }
0x5a: {  	_ =	shalt  }
0x5b: {  	_ =	shalt  }
0x5c: {  	_ =	shalt  }
0x5d: {  	_ =	shalt  }
0x5e: {  	_ =	shalt  }
0x5f: {  	_ =	shalt  }
0x60: {  	_ =	shalt  }
0x61: {  	_ =	shalt  }
0x62: {  	_ =	shalt  }
0x63: {  	_ =	shalt  }
0x64: {  	_ =	shalt  }
0x65: {  	_ =	shalt  }
0x66: {  	_ =	shalt  }
0x67: {  	_ =	shalt  }
0x68: {  	_ =	shalt  }
0x69: {  	_ =	shalt  }
0x6a: {  	_ =	shalt  }
0x6b: {  	_ =	shalt  }
0x6c: {  	_ =	shalt  }
0x6d: {  	_ =	shalt  }
0x6e: {  	_ =	shalt  }
0x6f: {  	_ =	shalt  }
0x70: {  	_ =	shalt  }
0x71: {  	_ =	shalt  }
0x72: {  	_ =	shalt  }
0x73: {  	_ =	shalt  }
0x74: {  	_ =	shalt  }
0x75: {  	_ =	shalt  }
0x76: {  	_ =	shalt  }
0x77: {  	_ =	shalt  }
0x78: {  	_ =	shalt  }
0x79: {  	_ =	shalt  }
0x7a: {  	_ =	shalt  }
0x7b: {  	_ =	shalt  }
0x7c: {  	_ =	shalt  }
0x7d: {  	_ =	shalt  }
0x7e: {  	_ =	shalt  }
0x7f: {  	_ =	shalt  }
0x80: {  	_ =	shalt  }
0x81: {  	_ =	shalt  }
0x82: {  	_ =	shalt  }
0x83: {  	_ =	shalt  }
0x84: {  	_ =	shalt  }
0x85: {  	_ =	shalt  }
0x86: {  	_ =	shalt  }
0x87: {  	_ =	shalt  }
.Lfunc_end0:
.L_simem_size_0:
called_computation_lowered:
.L_overlay_start_0:
0x88: {  	s2 =	sld [smem:$0x3FD9]  }
0x89: {  	s3 =	sld [smem:$0x3FFE];
	_ =	sdelay $0x1  }
0x8a: {  	s1 =	srdreg.scid  }
0x8b: {  	s0 =	sand.u32 $0x1, s1  }
0x8c: {  	s17 =	sshll.u32 s0, $0xA;
	s2 =	sadd.s32 s3, s2  }
0x8d: {  	s2 =	sadd.s32 s2, s17  }
0x8e: {  	[smem:$0x3FC2] =	sst s2  }
0x8f: {  	_ = 	snop  }
0x90: {  	s2 =	sld [smem:$0x3FD0];
	(tm) =	ssettm $0x1  }
0x91: {  	s18 =	sld [smem:$0x3FFB];
	_ =	sdelay $0x3  }
0x92: {  	_ =	strace s18  }
0x93: {  	s3 =	sld [smem:$0x3FFC];
	_ =	sdelay $0x3  }
0x94: {  	_ =	strace s3  }
0x95: {  	s3 =	sld [smem:$0x3FFD];
	_ =	sdelay $0x3  }
0x96: {  	_ =	strace s3  }
0x97: {  	_ =	strace $0x8FFFFFFF  }
0x98: {  	s19 =	sld [smem:$0x3FDB];
	_ =	sdelay $0x1  }
0x99: {  	s4 =	simm.s32 $_scs_section_size  }
0x9a: {  	s5 =	simm.s32 $_size__tile_overlayer_lowered;
	s6 =	simm.s32 $_tile_overlayer_lowered  }
0x9b: {  	s22 =	simm.s32 $0x1BFF;
	s21 =	sshll.u32 s6, $0x1;
	s3 =	sadd.s32 s4, s19  }
0x9c: {  	s7 =	simm.s32 $0x0;
	s20 =	sshll.u32 s5, $0x1;
	s5 =	sadd.s32 s21, s3  }
0x9d: {  	[timem:s7], [sflag:s22] =	dma.local [hbm:s5], s20  }
0x9e: {  	_ =	swait.ge [sflag:s22], s20  }
0x9f: {  	s4 =	ssub.s32 $0x0, s20;
	[sflag:s22] =	ssyncset.done $0x0  }
0xa0: {  	[sflag:s22] =	ssyncadd.s32 s4;
	_ =	sdelay $0x1  }
0xa1: {  	s23 =	simm.s32 $0x1B8B  }
0xa2: {  	_ =	swait.ge [sflag:s23], $0x1  }
0xa3: {  	[sflag:s23] =	ssyncset.done $0x0  }
0xa4: {  	s25 =	simm.s32 $0x1B8E;
	s24 =	sld [smem:$0x3FFE];
	[sflag:s23] =	ssyncadd.s32 $0xFFFFFFFF  }
0xa5: {  	s26 =	simm.s32 $execute0_lowered;
	[smem:$0x3FD2] =	sst s25  }
0xa6: {  	s5 =	sshll.u32 s26, $0x1;
	_ =	strace $0x80000046;
	[dreg:$0x1] =	wrdreg $0xFFFFFFFF  }
0xa7: {  	s28 =	simm.s32 $_size_execute0_lowered;
	s3 =	sadd.s32 s3, s5;
	[dreg:$0x0] =	wrdreg $0x0  }
0xa8: {  	s5 =	sshll.u32 s28, $0x1;
	[dreg:$0x2] =	wrdreg s3  }
0xa9: {  	[dreg:$0x3] =	wrdreg s5  }
0xaa: {  	[dreg:$0x4] =	wrdreg $0xC0  }
0xab: {  	_ =	task [dreg:s7], $0x5FFFF  }
0xac: {  	[dreg:$0x1] =	wrdreg $0xFFFFFFFF  }
0xad: {  	[dreg:$0x0] =	wrdreg $0x60  }
0xae: {  	[dreg:$0x2] =	wrdreg s2  }
0xaf: {  	[dreg:$0x3] =	wrdreg s24  }
0xb0: {  	[dreg:$0x4] =	wrdreg $0x68000  }
0xb1: {  	[dreg:$0x5] =	wrdreg $0x9  }
0xb2: {  	_ =	task.clear_ibuf [dreg:s7], $0x6FFFF;
	_ =	strace $0x90000046  }
0xb3: {  	s29 =	simm.s32 $0x9;
	_ =	strace $0x80000048  }
0xb4: {  	_ =	swait.ge [sflag:s29], $0x1  }
0xb5: {  	[sflag:s29] =	ssyncadd.s32 $0xFFFFFFFF  }
0xb6: {  	_ =	strace $0x90000048  }
0xb7: {  	_ =	sfence  }
0xb8: {  	s30 =	sld [smem:$0x0];
	_ =	sdelay $0x2  }
0xb9: {  	s31 =	sshll.u32 s1, $0xD;
	s1 =	sshrl.u32 s1, $0x2  }
0xba: {  	s3 =	sand.u32 $0x4000, s31;
	s1 =	sadd.s32 s1, s30  }
0xbb: {  	s0 =	sor.u32 s3, s0;
	s1 =	sshll.u32 s1, $0x11  }
0xbc: {  	s0 =	sor.u32 s1, s0  }
0xbd: {  	s0 =	sadd.s32 $0x8F2B, s0  }
0xbe: {  	[sflag:s0] =	ssyncadd.remote.s32 $0x1  }
0xbf: {  	_ =	sfence.sel $0xFFFF  }
0xc0: {  	[dreg:$0x0] =	wrdreg $0xFFFFFFFF;
	(pc) =	sbr.abs _section_cstart, $3  }
0xc1: {  	[dreg:$0x1] =	wrdreg $0xFFFFFFFF  }
0xc2: {  	_ =	task.clear_ibuf [dreg:s7], $0x2FFFF;
	_ =	strace $0x9FFFFFFF  }
0xc3: {  	(tm) =	ssettm $0x7FFFFFFF  }
tec
execute0_lowered:
.L_overlay_start_1:
0x0: {  	(tag) =	ssettag $0x1  }
0x1: {  	s9 =	rddreg [dreg:$0x0]  }
0x2: {  	s6 =	rddreg [dreg:$0x1]  }
0x3: {  	s0 =	srdreg.scid;
	s2 =	rddreg [dreg:$0x2]  }
0x4: {  	s1 =	rddreg [dreg:$0x3];
	s3 =	simm.s32 $0x0;
	s4 =	sand.u32 $0x1, s0  }
0x5: {  	s13 =	simm.s32 $0x1;
	s0 =	stileid.u32;
	s5 =	smul.u32 $0x140000, s4  }
0x6: {  	s14 =	simm.s32 $0x80;
	[smem:$0x7FF] =	sst s3;
	s7 =	smul.u32 $0x14000, s0  }
0x7: {  	s29 =	smul.u32 $0x50000, s0;
	_ =	strace $0x80000047;
	s30 =	ssub.s32 $0x2, s4  }
0x8: {  	s31 =	sshll.u32 s0, $0x1;
	s15 =	sshll.u32 s0, $0x6;
	s8 =	sshrl.u32 s30, $0x1  }
0x9: {  	s15 =	sor.u32 $0x1C01, s15;
	s5 =	sadd.s32 s7, s5;
	s11 =	ssub.s32 s30, s8  }
0xa: {  	s7 =	sshrl.u32 s29, $0x2;
	s5 =	sshrl.u32 s5, $0x3;
	s11 =	smax.u32 s11, $0x1  }
0xb: {  	s10 =	sadd.s32 s5, s6;
	s6 =	sor.u32 s4, s31;
	s4 =	sadd.s32 s7, s2  }
0xc: {  	s5 =	sadd.s32 $0x4000, s4;
	s12 =	smul.u32 $0x500, s6;
	s6 =	sadd.s32 $0x8000, s4  }
0xd: {  	s7 =	sadd.s32 $0xC000, s4;
	s8 =	sadd.s32 $0x10000, s4;
	s10 =	sadd.s32 $0xC400, s10  }
0xe: {  	v0 =	vimm.f32 $0.0e+00;
	v1 =	vimm.f32 $1.000000000e+00;
	s16 =	sshrl.u32 s4, $0x3;
	s9 =	sadd.s32 s9, s12;
	s12 =	simm.s32 $0x2800  }
.LBB2_1:
0xf: {  	s17 =	simm.s32 $0x200;
	s18 =	simm.s32 $0x0  }
.LBB2_2:
0x10: {  	p0 =	sne.s32 s17, $0xFE00;
	[tilespmem:s18+$0x2800] =	vst v0;
	s18 =	smov.u32 s17;
	s17 =	sadd.s32 $0x200, s17  }
.Ltmp0:
0x11: {  	(pc) =	sbr.rel @p0 .LBB2_2-.Ltmp0, $2  }
0x12: {  	_ =	sdelay $0x2  }
0x13: {  	s18 =	sshra.s32 s18, $0x2  }
0x14: {  	[tilespmem:s18+$0x2800] =	vst v0  }
0x15: {  	[spmem:s4] =	stream.linear.scatter [tilespmem:s12], [sflag:$0x1], $0x4000, $0x38;
	[tilespmem:$0x9000] =	vst v63  }
0x16: {  	_ =	swait.ge [sflag:s13], $0x4000  }
0x17: {  	[sflag:s13] =	ssyncset.done $0x0  }
0x18: {  	[sflag:s13] =	ssyncadd.s32 $0xFFFFC000  }
0x19: {  	[spmem:s5] =	stream.linear.scatter [tilespmem:s12], [sflag:$0x1], $0x4000, $0x38;
	[tilespmem:$0x9000] =	vst v63  }
0x1a: {  	_ =	swait.ge [sflag:s13], $0x4000  }
0x1b: {  	[sflag:s13] =	ssyncset.done $0x0  }
0x1c: {  	[sflag:s13] =	ssyncadd.s32 $0xFFFFC000  }
0x1d: {  	[spmem:s6] =	stream.linear.scatter [tilespmem:s12], [sflag:$0x1], $0x4000, $0x38;
	[tilespmem:$0x9000] =	vst v63  }
0x1e: {  	_ =	swait.ge [sflag:s13], $0x4000  }
0x1f: {  	[sflag:s13] =	ssyncset.done $0x0  }
0x20: {  	[sflag:s13] =	ssyncadd.s32 $0xFFFFC000  }
0x21: {  	[spmem:s7] =	stream.linear.scatter [tilespmem:s12], [sflag:$0x1], $0x4000, $0x38;
	[tilespmem:$0x9000] =	vst v63  }
0x22: {  	_ =	swait.ge [sflag:s13], $0x4000  }
0x23: {  	[sflag:s13] =	ssyncset.done $0x0  }
0x24: {  	[sflag:s13] =	ssyncadd.s32 $0xFFFFC000  }
0x25: {  	[spmem:s8] =	stream.linear.scatter [tilespmem:s12], [sflag:$0x1], $0x4000, $0x38;
	[tilespmem:$0x9000] =	vst v63  }
0x26: {  	_ =	swait.ge [sflag:s13], $0x4000  }
0x27: {  	[sflag:s13] =	ssyncset.done $0x0  }
0x28: {  	s17 =	simm.s32 $0x200;
	s18 =	simm.s32 $0x0;
	[sflag:s13] =	ssyncadd.s32 $0xFFFFC000  }
.LBB2_4:
0x29: {  	p0 =	sne.s32 s17, $0xFE00;
	[tilespmem:s18+$0x2800] =	vst v1;
	s18 =	smov.u32 s17;
	s17 =	sadd.s32 $0x200, s17  }
.Ltmp1:
0x2a: {  	(pc) =	sbr.rel @p0 .LBB2_4-.Ltmp1, $2  }
0x2b: {  	_ =	sdelay $0x2  }
0x2c: {  	s18 =	sshra.s32 s18, $0x2  }
0x2d: {  	[tilespmem:s18+$0x2800] =	vst v1;
	s17 =	simm.s32 $0x0  }
0x2e: {  	[tilespmem:s17], [sflag:$0x1] =	stream.linear.gather [hbm4b:s9+s17], $0x2800, $0x38;
	[tilespmem:$0x9000] =	vst v63  }
0x2f: {  	_ =	swait.ge [sflag:s13], $0x2800  }
0x30: {  	[sflag:s13] =	ssyncset.done $0x0  }
0x31: {  	[sflag:s13] =	ssyncadd.s32 $0xFFFFD800  }
0x32: {  	s31 =	simm.s32 $0x0;
	[bflag:$0x0] =	sbarrier.arrive $0xFFFF  }
0x33: {  	[spmem:s2] =	stream.indirect.scatter.add.f32 [tilespmem:s12], [sflag:$0x1], $0x10, s31, s14, $0xb8;
	[tilespmem:$0x9000] =	vst v63  }
0x34: {  	_ =	swait.ge [sflag:s13], $0x800  }
0x35: {  	s17 =	simm.s32 $0x200;
	[sflag:s13] =	ssyncset.done $0x0  }
.LBB2_6:
0x36: {  	s18 =	sshra.s32 s17, $0x2;
	[sflag:s13] =	ssyncadd.s32 $0xFFFFF800;
	p0 =	sne.s32 s17, $0x9E00  }
0x37: {  	[spmem:s2] =	stream.indirect.scatter.add.f32 [tilespmem:s12], [sflag:$0x1], $0x10, s18, s14, $0xb8;
	[tilespmem:$0x9000] =	vst v63  }
.Ltmp2:
0x38: {  	_ = 	snop;
	(pc) =	sbr.rel @p0 .LBB2_6-.Ltmp2, $4  }
0x39: {  	_ = 	snop  }
0x3a: {  	s17 =	sadd.s32 $0x200, s17  }
0x3b: {  	_ =	swait.ge [sflag:s13], $0x800  }
0x3c: {  	[sflag:s13] =	ssyncset.done $0x0  }
0x3d: {  	s3 =	sadd.s32 $0x1, s3  }
0x3e: {  	[sflag:s13] =	ssyncadd.s32 $0xFFFFF800;
	p0 =	sne.s32 s3, s11  }
.Ltmp3:
0x3f: {  	[bflag:$0x0] =	sbarrier.arrive $0xFFFF;
	(pc) =	sbr.rel @p0 .LBB2_1-.Ltmp3, $4  }
0x40: {  	[hbm:s10], [sflag:s15] =	dma.local [spmem:s16], $0x2800  }
0x41: {  	_ =	swait.ge [sflag:s13], $0x2800  }
0x42: {  	[sflag:s13] =	ssyncset.done $0x0  }
0x43: {  	[sflag:s13] =	ssyncadd.s32 $0xFFFFD800  }
0x44: {  	_ =	sfence.sel $0x180000  }
0x45: {  	[bflag:$0x0] =	sbarrier.arrive $0xFFFF  }
0x46: {  	p0 =	sne.s32 s0, $0x0;
	_ =	strace $0x90000047  }
0x47: {  	s0 =	sadd.s32 @!p0 $0x100000, s1;
	[bflag:$0x2] =	sbarrier.arrive $0xFFFF  }
0x48: {  	[sflag:s0] =	ssyncadd.tile.s32 @!p0 $0x1;
	_ =	shalt  }
.Lfunc_end2:
_tile_overlayer_lowered:
.L_overlay_start_2:
0x49: {  	(tag) =	ssettag $0x2  }
0x4a: {  	s0 =	rddreg [dreg:$0x0];
	s2 =	stileid.u32  }
0x4b: {  	s1 =	rddreg [dreg:$0x1];
	p0 =	sne.s32 s2, $0x0  }
0x4c: {  	s3 =	rddreg [dreg:$0x2];
	[bflag:$0x3] =	sbarrier.arrive $0xFFFF;
	s2 =	simm.s32 @!p0 $0x1C01  }
0x4d: {  	[timem:s3], [sflag:s2] =	dma.local @!p0 [hbm:s0], s1  }
0x4e: {  	s0 =	simm.s32 @!p0 $0x1  }
0x4f: {  	_ =	swait.ge @!p0 [sflag:s0], s1  }
0x50: {  	s1 =	ssub.s32 @!p0 $0x0, s1;
	[sflag:s0] =	ssyncset.done @!p0 $0x0  }
0x51: {  	[sflag:s0] =	ssyncadd.s32 @!p0 s1  }
0x52: {  	[bflag:$0x3] =	sbarrier.arrive $0xFFFF  }
0x53: {  	_ =	shalt  }

</sc_bundles>
